<compile_context>
chip_gen: v7x
topology: tpu7x:2x2x1
jax: 0.10.2.dev20260603
libtpu: 0.0.44.dev20260713+nightly
codegen_flags: <defaults>
</compile_context>

<pallas_src>
import functools

import jax
import jax.numpy as jnp
from jax import lax
from jax.experimental import pallas as pl
from jax.experimental.pallas import tpu as pltpu
from jax.experimental.pallas import tpu_sc as plsc

N = 10000
NPAD = 10240
E = 320000
D = 128
DE = 16
H = 128

NC = 2
NS = 16
NW = NC * NS
EPW = E // NW
B = 40
BP = 48
NBATCH = EPW // B
RPS = NPAD // NS



def _pre_body(x_ref, wd_ref, ws_ref, xd_ref, xs_ref):
    xv = x_ref[...]
    dn = (((1,), (0,)), ((), ()))
    xd_ref[...] = lax.dot_general(xv, wd_ref[...], dn,
                                  preferred_element_type=jnp.float32)
    xs_ref[...] = lax.dot_general(xv, ws_ref[...], dn,
                                  preferred_element_type=jnp.float32)


def _ea_body(ea_ref, wa_ref, b1_ref, out_ref):
    dn = (((1,), (0,)), ((), ()))
    out_ref[...] = lax.dot_general(ea_ref[...], wa_ref[...], dn,
                                   preferred_element_type=jnp.float32) + b1_ref[...]


def _node_body(hagg_ref, cts_ref, x_ref, w2_ref, b2_ref, wn1x_ref, wn1a_ref,
               bn1_ref, wn2_ref, bn2_ref, out_ref):
    dn = (((1,), (0,)), ((), ()))
    hsum = hagg_ref[0] + hagg_ref[1]
    aggp = lax.dot_general(hsum, w2_ref[...], dn,
                           preferred_element_type=jnp.float32)
    c = jnp.sum(cts_ref[...], axis=0)
    aggp = aggp + c[:, None] * b2_ref[...][None, :]
    agg = aggp[:N]
    pre = (lax.dot_general(x_ref[...], wn1x_ref[...], dn,
                           preferred_element_type=jnp.float32)
           + lax.dot_general(agg, wn1a_ref[...], dn,
                             preferred_element_type=jnp.float32)
           + bn1_ref[...])
    hn = jnp.maximum(pre, 0.0)
    out_ref[...] = lax.dot_general(hn, wn2_ref[...], dn,
                                   preferred_element_type=jnp.float32) + bn2_ref[...]



def _sc_edge_body(xd_hbm, xs_hbm, ea_hbm, dst_hbm, src_hbm,
                  out_hbm, cnt_hbm,
                  dsti0, srci0, xdv0, xsv0, hv0,
                  dsti1, srci1, xdv1, xsv1, hv1,
                  cntv, acc, dsem0, dsem1, gsem0, gsem1):
    cid = lax.axis_index("c")
    sid = lax.axis_index("s")
    wid = cid * NS + sid
    ebase = wid * EPW

    slots = ((dsti0, srci0, xdv0, xsv0, hv0, dsem0, gsem0),
             (dsti1, srci1, xdv1, xsv1, hv1, dsem1, gsem1))

    zero16 = jnp.zeros((16,), jnp.float32)
    one16 = jnp.full((16,), 1.0, jnp.float32)
    lane = lax.iota(jnp.int32, 16)
    tailmask = lane < (B - 2 * 16)

    def zrow(r, c):
        for j in range(H // 16):
            hv0[r, pl.ds(j * 16, 16)] = zero16
        return c
    lax.fori_loop(0, B, zrow, 0)
    for k in range(RPS // B):
        off = pl.multiple_of(sid * RPS + k * B, 8)
        pltpu.sync_copy(hv0, acc.at[pl.ds(off, B)])

    def crow(r, c):
        cntv[pl.ds(r * 16, 16)] = zero16
        return c
    lax.fori_loop(0, NPAD // 16, crow, 0)

    plsc.subcore_barrier()

    def idx_start(sl, b):
        d, s, _, _, _, dsem, _ = slots[sl]
        base = ebase + b * B
        pltpu.async_copy(dst_hbm.at[pl.ds(base, B)], d.at[pl.ds(0, B)], dsem)
        pltpu.async_copy(src_hbm.at[pl.ds(base, B)], s.at[pl.ds(0, B)], dsem)

    def idx_wait(sl, b):
        d, s, _, _, _, dsem, _ = slots[sl]
        base = ebase + b * B
        pltpu.make_async_copy(
            dst_hbm.at[pl.ds(base, B)], d.at[pl.ds(0, B)], dsem).wait()
        pltpu.make_async_copy(
            src_hbm.at[pl.ds(base, B)], s.at[pl.ds(0, B)], dsem).wait()

    def g_start(sl, b):
        d, s, xdv, xsv, hv, _, gsem = slots[sl]
        base = ebase + b * B
        pltpu.async_copy(xd_hbm.at[d.at[pl.ds(0, B)]], xdv, gsem)
        pltpu.async_copy(xs_hbm.at[s.at[pl.ds(0, B)]], xsv, gsem)
        pltpu.async_copy(ea_hbm.at[pl.ds(base, B)], hv, gsem)

    def g_wait(sl, b):
        d, s, xdv, xsv, hv, _, gsem = slots[sl]
        base = ebase + b * B
        pltpu.make_async_copy(xd_hbm.at[d.at[pl.ds(0, B)]], xdv, gsem).wait()
        pltpu.make_async_copy(xs_hbm.at[s.at[pl.ds(0, B)]], xsv, gsem).wait()
        pltpu.make_async_copy(ea_hbm.at[pl.ds(base, B)], hv, gsem).wait()

    idx_start(0, 0)
    idx_start(1, 1)
    idx_wait(0, 0)
    g_start(0, 0)

    def super_body(g, c):
        for j in range(2):
            b = g * 2 + j
            d, s, xdv, xsv, hv, dsem, gsem = slots[j]
            g_wait(j, b)

            @pl.when(b + 1 < NBATCH)
            def _():
                idx_wait(1 - j, b + 1)
                g_start(1 - j, b + 1)

            def row(r, cc):
                for jj in range(H // 16):
                    sl16 = pl.ds(jj * 16, 16)
                    t = hv[r, sl16] + xdv[r, sl16] + xsv[r, sl16]
                    hv[r, sl16] = jnp.maximum(t, 0.0)
                return cc
            lax.fori_loop(0, B, row, 0)

            for kk in range(B // 16):
                plsc.addupdate_scatter(cntv, [d[pl.ds(kk * 16, 16)]], one16)
            if B % 16:
                plsc.addupdate_scatter(
                    cntv, [d[pl.ds((B // 16) * 16, 16)]], one16, mask=tailmask)

            pltpu.sync_copy(hv, acc.at[d.at[pl.ds(0, B)]], add=True)

            @pl.when(b + 2 < NBATCH)
            def _():
                idx_start(j, b + 2)
        return c
    lax.fori_loop(0, NBATCH // 2, super_body, 0)

    pltpu.sync_copy(cntv, cnt_hbm.at[wid])

    plsc.subcore_barrier()
    off = pl.multiple_of(sid * RPS, 8)
    pltpu.sync_copy(acc.at[pl.ds(off, RPS)],
                    out_hbm.at[cid, pl.ds(off, RPS)])


_sc_edge = functools.partial(
    pl.kernel,
    mesh=plsc.VectorSubcoreMesh(core_axis_name="c", subcore_axis_name="s"),
    compiler_params=pltpu.CompilerParams(needs_layout_passes=False),
    out_type=(jax.ShapeDtypeStruct((NC, NPAD, H), jnp.float32),
              jax.ShapeDtypeStruct((NW, NPAD), jnp.float32)),
    scratch_types=[
        pltpu.VMEM((BP,), jnp.int32),
        pltpu.VMEM((BP,), jnp.int32),
        pltpu.VMEM((B, H), jnp.float32),
        pltpu.VMEM((B, H), jnp.float32),
        pltpu.VMEM((B, H), jnp.float32),
        pltpu.VMEM((BP,), jnp.int32),
        pltpu.VMEM((BP,), jnp.int32),
        pltpu.VMEM((B, H), jnp.float32),
        pltpu.VMEM((B, H), jnp.float32),
        pltpu.VMEM((B, H), jnp.float32),
        pltpu.VMEM((NPAD,), jnp.float32),
        pltpu.VMEM_SHARED((NPAD, H), jnp.float32),
        pltpu.SemaphoreType.DMA,
        pltpu.SemaphoreType.DMA,
        pltpu.SemaphoreType.DMA,
        pltpu.SemaphoreType.DMA,
    ],
)(_sc_edge_body)



EBLK = 8000


def kernel(x, edge_index, edge_attr, We1, be1, We2, be2, Wn1, bn1, Wn2, bn2):
    dst = edge_index[1].astype(jnp.int32)
    src = edge_index[0].astype(jnp.int32)
    Wa = We1[:DE]
    Wd = We1[DE:DE + D]
    Ws = We1[DE + D:]

    xd, xs = pl.pallas_call(
        _pre_body,
        out_shape=(jax.ShapeDtypeStruct((N, H), jnp.float32),
                   jax.ShapeDtypeStruct((N, H), jnp.float32)),
    )(x, Wd, Ws)

    ea = pl.pallas_call(
        _ea_body,
        grid=(E // EBLK,),
        in_specs=[
            pl.BlockSpec((EBLK, DE), lambda i: (i, 0)),
            pl.BlockSpec((DE, H), lambda i: (0, 0)),
            pl.BlockSpec((H,), lambda i: (0,)),
        ],
        out_specs=pl.BlockSpec((EBLK, H), lambda i: (i, 0)),
        out_shape=jax.ShapeDtypeStruct((E, H), jnp.float32),
    )(edge_attr, Wa, be1)

    hagg, cnt = _sc_edge(xd, xs, ea, dst, src)

    out = pl.pallas_call(
        _node_body,
        out_shape=jax.ShapeDtypeStruct((N, D), jnp.float32),
    )(hagg, cnt, x, We2, be2, Wn1[:D], Wn1[D:], bn1, Wn2, bn2)
    return out

# --- scband reference (transcript-rebuilt; emitter-appended) ---
"""Pipeline reference for scband-dglinteraction-network-7653631722048 (READ-ONLY COPY).

The authoritative reference and input builder live on the scoring server;
editing this copy changes nothing except your own understanding.
"""

import jax, jax.numpy as jnp
import numpy as np

N, E, D, DE, H = 10000, 320000, 128, 16, 128


def _init_linear(key, fan_in, fan_out):
    kw, kb = jax.random.split(key)
    bound = 1.0 / np.sqrt(fan_in)
    W = jax.random.uniform(kw, (fan_in, fan_out), minval=-bound, maxval=bound, dtype=jnp.float32)
    b = jax.random.uniform(kb, (fan_out,), minval=-bound, maxval=bound, dtype=jnp.float32)
    return W, b


def setup_inputs(seed: int = 0) -> dict:
    key = jax.random.key(seed)
    ks = jax.random.split(key, 8)
    x = jax.random.normal(ks[0], (N, D), dtype=jnp.float32)
    edge_index = jax.random.randint(ks[1], (2, E), 0, N, dtype=jnp.int64)
    edge_attr = jax.random.normal(ks[2], (E, DE), dtype=jnp.float32)
    # edge model MLP: input = [edge_attr | x_recv | x_send] -> DE + 2*D = 272
    We1, be1 = _init_linear(ks[3], DE + 2 * D, H)
    We2, be2 = _init_linear(ks[4], H, H)
    # node model MLP: input = [x | aggregated received edges] -> D + H = 256
    Wn1, bn1 = _init_linear(ks[5], D + H, H)
    Wn2, bn2 = _init_linear(ks[6], H, D)
    return {
        "x": x, "edge_index": edge_index, "edge_attr": edge_attr,
        "We1": We1, "be1": be1, "We2": We2, "be2": be2,
        "Wn1": Wn1, "bn1": bn1, "Wn2": Wn2, "bn2": bn2,
    }


def reference(x, edge_index, edge_attr, We1, be1, We2, be2, Wn1, bn1, Wn2, bn2):
    src = edge_index[0]
    dst = edge_index[1]
    # EdgeBlock: concat [edge features, receiver node features, sender node features]
    e_in = jnp.concatenate([edge_attr, jnp.take(x, dst, axis=0), jnp.take(x, src, axis=0)], axis=-1)
    h = jax.nn.relu(e_in @ We1 + be1)
    e_out = h @ We2 + be2
    # NodeBlock: scatter_add of received (incoming) updated edges by destination node
    agg = jax.ops.segment_sum(e_out, dst, num_segments=x.shape[0])
    n_in = jnp.concatenate([x, agg], axis=-1)
    hn = jax.nn.relu(n_in @ Wn1 + bn1)
    x_out = hn @ Wn2 + bn2
    return x_out

if __name__ == "__main__":
    import jax
    _d = setup_inputs()
    print(jax.jit(kernel)(*tuple(_d.values())))

</pallas_src>

<mosaic_0001>
#map = affine_map<(d0, d1) -> (0, 0)>
#map1 = affine_map<(d0, d1) -> (0)>
#map2 = affine_map<(d0, d1) -> (0, 0, 0)>
module attributes {stable_mosaic.version = 14 : i64} {
  func.func @_sc_edge_body(%arg0: i32, %arg1: i32, %arg2: memref<10000x128xf32, #tpu.memory_space<hbm>>, %arg3: memref<10000x128xf32, #tpu.memory_space<hbm>>, %arg4: memref<320000x128xf32, #tpu.memory_space<hbm>>, %arg5: memref<320000xi32, #tpu.memory_space<hbm>>, %arg6: memref<320000xi32, #tpu.memory_space<hbm>>, %arg7: memref<2x10240x128xf32, #tpu.memory_space<hbm>>, %arg8: memref<32x10240xf32, #tpu.memory_space<hbm>>, %arg9: memref<48xi32, #tpu.memory_space<vmem>>, %arg10: memref<48xi32, #tpu.memory_space<vmem>>, %arg11: memref<40x128xf32, #tpu.memory_space<vmem>>, %arg12: memref<40x128xf32, #tpu.memory_space<vmem>>, %arg13: memref<40x128xf32, #tpu.memory_space<vmem>>, %arg14: memref<48xi32, #tpu.memory_space<vmem>>, %arg15: memref<48xi32, #tpu.memory_space<vmem>>, %arg16: memref<40x128xf32, #tpu.memory_space<vmem>>, %arg17: memref<40x128xf32, #tpu.memory_space<vmem>>, %arg18: memref<40x128xf32, #tpu.memory_space<vmem>>, %arg19: memref<10240xf32, #tpu.memory_space<vmem>>, %arg20: memref<10240x128xf32, #tpu.memory_space<vmem_shared>>, %arg21: memref<!tpu.dma_semaphore, #tpu.memory_space<semaphore_mem>>, %arg22: memref<!tpu.dma_semaphore, #tpu.memory_space<semaphore_mem>>, %arg23: memref<!tpu.dma_semaphore, #tpu.memory_space<semaphore_mem>>, %arg24: memref<!tpu.dma_semaphore, #tpu.memory_space<semaphore_mem>>) attributes {dimension_semantics = [#tpu.dimension_semantics<core_parallel>, #tpu.dimension_semantics<subcore_parallel>], iteration_bounds = array<i64: 2, 16>, scalar_prefetch = 0 : i64, scratch_operands = 16 : i64, tpu.core_type = #tpu.core_type<sc_vector_subcore>, window_params = [{transform_indices = #map}, {transform_indices = #map}, {transform_indices = #map}, {transform_indices = #map1}, {transform_indices = #map1}, {transform_indices = #map2}, {transform_indices = #map}]} {
    %mul3A = arith.constant 16 : i32
    %mul3A_0 = arith.muli %arg0, %mul3A : i32
    %add3A = arith.addi %mul3A_0, %arg1 : i32
    %mul3A_1 = arith.constant 10000 : i32
    %mul3A_2 = arith.muli %add3A, %mul3A_1 : i32
    %broadcast_in_dim3A = arith.constant 0.000000e+00 : f32
    %broadcast_in_dim3A_3 = vector.broadcast %broadcast_in_dim3A : f32 to vector<16xf32>
    %broadcast_in_dim3A_4 = arith.constant 1.000000e+00 : f32
    %broadcast_in_dim3A_5 = vector.broadcast %broadcast_in_dim3A_4 : f32 to vector<16xf32>
    %iota3A = tpu.iota {dimensions = array<i32: 0>} : vector<16xi32>
    %lt3A = arith.constant 8 : i32
    %lt3A_6 = vector.broadcast %lt3A : i32 to vector<16xi32>
    %lt3A_7 = arith.cmpi slt, %iota3A, %lt3A_6 : vector<16xi32>
    %scan3A = arith.constant 0 : i32
    %scan3A_8 = arith.constant 0 : i32
    %scan3A_9 = arith.constant 40 : i32
    %scan3A_10 = arith.addi %scan3A_8, %scan3A_9 : i32
    %scan3A_11 = arith.constant 1 : i32
    scf.for %scan3A_164 = %scan3A_8 to %scan3A_10 step %scan3A_11  : i32 {
      %swap3A = arith.index_cast %scan3A_164 : i32 to index
      %swap3A_165 = arith.constant 0 : index
      %swap3A_166 = tpu.vector_load %arg13[%swap3A, %swap3A_165] {strides = array<i32>} : memref<40x128xf32, #tpu.memory_space<vmem>>, vector<16xf32>,
      tpu.vector_store %arg13[%swap3A, %swap3A_165], %broadcast_in_dim3A_3 {strides = array<i32>} : memref<40x128xf32, #tpu.memory_space<vmem>>, vector<16xf32>,
      %swap3A_167 = arith.index_cast %scan3A_164 : i32 to index
      %swap3A_168 = arith.constant 16 : index
      %swap3A_169 = tpu.vector_load %arg13[%swap3A_167, %swap3A_168] {strides = array<i32>} : memref<40x128xf32, #tpu.memory_space<vmem>>, vector<16xf32>,
      tpu.vector_store %arg13[%swap3A_167, %swap3A_168], %broadcast_in_dim3A_3 {strides = array<i32>} : memref<40x128xf32, #tpu.memory_space<vmem>>, vector<16xf32>,
      %swap3A_170 = arith.index_cast %scan3A_164 : i32 to index
      %swap3A_171 = arith.constant 32 : index
      %swap3A_172 = tpu.vector_load %arg13[%swap3A_170, %swap3A_171] {strides = array<i32>} : memref<40x128xf32, #tpu.memory_space<vmem>>, vector<16xf32>,
      tpu.vector_store %arg13[%swap3A_170, %swap3A_171], %broadcast_in_dim3A_3 {strides = array<i32>} : memref<40x128xf32, #tpu.memory_space<vmem>>, vector<16xf32>,
      %swap3A_173 = arith.index_cast %scan3A_164 : i32 to index
      %swap3A_174 = arith.constant 48 : index
      %swap3A_175 = tpu.vector_load %arg13[%swap3A_173, %swap3A_174] {strides = array<i32>} : memref<40x128xf32, #tpu.memory_space<vmem>>, vector<16xf32>,
      tpu.vector_store %arg13[%swap3A_173, %swap3A_174], %broadcast_in_dim3A_3 {strides = array<i32>} : memref<40x128xf32, #tpu.memory_space<vmem>>, vector<16xf32>,
      %swap3A_176 = arith.index_cast %scan3A_164 : i32 to index
      %swap3A_177 = arith.constant 64 : index
      %swap3A_178 = tpu.vector_load %arg13[%swap3A_176, %swap3A_177] {strides = array<i32>} : memref<40x128xf32, #tpu.memory_space<vmem>>, vector<16xf32>,
      tpu.vector_store %arg13[%swap3A_176, %swap3A_177], %broadcast_in_dim3A_3 {strides = array<i32>} : memref<40x128xf32, #tpu.memory_space<vmem>>, vector<16xf32>,
      %swap3A_179 = arith.index_cast %scan3A_164 : i32 to index
      %swap3A_180 = arith.constant 80 : index
      %swap3A_181 = tpu.vector_load %arg13[%swap3A_179, %swap3A_180] {strides = array<i32>} : memref<40x128xf32, #tpu.memory_space<vmem>>, vector<16xf32>,
      tpu.vector_store %arg13[%swap3A_179, %swap3A_180], %broadcast_in_dim3A_3 {strides = array<i32>} : memref<40x128xf32, #tpu.memory_space<vmem>>, vector<16xf32>,
      %swap3A_182 = arith.index_cast %scan3A_164 : i32 to index
      %swap3A_183 = arith.constant 96 : index
      %swap3A_184 = tpu.vector_load %arg13[%swap3A_182, %swap3A_183] {strides = array<i32>} : memref<40x128xf32, #tpu.memory_space<vmem>>, vector<16xf32>,
      tpu.vector_store %arg13[%swap3A_182, %swap3A_183], %broadcast_in_dim3A_3 {strides = array<i32>} : memref<40x128xf32, #tpu.memory_space<vmem>>, vector<16xf32>,
      %swap3A_185 = arith.index_cast %scan3A_164 : i32 to index
      %swap3A_186 = arith.constant 112 : index
      %swap3A_187 = tpu.vector_load %arg13[%swap3A_185, %swap3A_186] {strides = array<i32>} : memref<40x128xf32, #tpu.memory_space<vmem>>, vector<16xf32>,
      tpu.vector_store %arg13[%swap3A_185, %swap3A_186], %broadcast_in_dim3A_3 {strides = array<i32>} : memref<40x128xf32, #tpu.memory_space<vmem>>, vector<16xf32>,
    }
    %scan3A_12 = arith.constant 40 : i32
    %mul3A_13 = arith.constant 640 : i32
    %mul3A_14 = arith.muli %arg1, %mul3A_13 : i32
    %add3A_15 = arith.constant 0 : i32
    %add3A_16 = arith.addi %mul3A_14, %add3A_15 : i32
    %multiple_of3A = tpu.assume_multiple %add3A_16, 8 : i32
    "tpu.region"() ({
      %run_scoped3A = tpu.sem_alloc : memref<!tpu.dma_semaphore, #tpu.memory_space<semaphore_mem>>
      %dma_start3A_164 = arith.constant 0 : i32
      %dma_start3A_165 = tpu.memref_slice %arg20[%multiple_of3A, %dma_start3A_164] : memref<10240x128xf32, #tpu.memory_space<vmem_shared>> -> memref<40x128xf32, #tpu.memory_space<vmem_shared>>
      %dma_start3A_166 = arith.constant 0 : i32
      %dma_start3A_167 = tpu.memref_slice %arg20[%multiple_of3A, %dma_start3A_166] : memref<10240x128xf32, #tpu.memory_space<vmem_shared>> -> memref<40x128xf32, #tpu.memory_space<vmem_shared>>
      tpu.enqueue_dma source(%arg13 : memref<40x128xf32, #tpu.memory_space<vmem>>) target(%dma_start3A_167 : memref<40x128xf32, #tpu.memory_space<vmem_shared>>) target_semaphore(%run_scoped3A : memref<!tpu.dma_semaphore, #tpu.memory_space<semaphore_mem>>)
      %dma_wait3A_168 = arith.constant 0 : i32
      %dma_wait3A_169 = tpu.memref_slice %arg20[%multiple_of3A, %dma_wait3A_168] : memref<10240x128xf32, #tpu.memory_space<vmem_shared>> -> memref<40x128xf32, #tpu.memory_space<vmem_shared>>
      %dma_wait3A_170 = arith.constant 0 : i32
      %dma_wait3A_171 = tpu.memref_slice %arg20[%multiple_of3A, %dma_wait3A_170] : memref<10240x128xf32, #tpu.memory_space<vmem_shared>> -> memref<40x128xf32, #tpu.memory_space<vmem_shared>>
      tpu.wait_dma2 semaphore(%run_scoped3A : memref<!tpu.dma_semaphore, #tpu.memory_space<semaphore_mem>>) src(%arg13 : memref<40x128xf32, #tpu.memory_space<vmem>>) dst(%dma_wait3A_171 : memref<40x128xf32, #tpu.memory_space<vmem_shared>>)
      tpu.yield
    }) : () -> ()
    %mul3A_17 = arith.constant 640 : i32
    %mul3A_18 = arith.muli %arg1, %mul3A_17 : i32
    %add3A_19 = arith.constant 40 : i32
    %add3A_20 = arith.addi %mul3A_18, %add3A_19 : i32
    %multiple_of3A_21 = tpu.assume_multiple %add3A_20, 8 : i32
    "tpu.region"() ({
      %run_scoped3A = tpu.sem_alloc : memref<!tpu.dma_semaphore, #tpu.memory_space<semaphore_mem>>
      %dma_start3A_164 = arith.constant 0 : i32
      %dma_start3A_165 = tpu.memref_slice %arg20[%multiple_of3A_21, %dma_start3A_164] : memref<10240x128xf32, #tpu.memory_space<vmem_shared>> -> memref<40x128xf32, #tpu.memory_space<vmem_shared>>
      %dma_start3A_166 = arith.constant 0 : i32
      %dma_start3A_167 = tpu.memref_slice %arg20[%multiple_of3A_21, %dma_start3A_166] : memref<10240x128xf32, #tpu.memory_space<vmem_shared>> -> memref<40x128xf32, #tpu.memory_space<vmem_shared>>
      tpu.enqueue_dma source(%arg13 : memref<40x128xf32, #tpu.memory_space<vmem>>) target(%dma_start3A_167 : memref<40x128xf32, #tpu.memory_space<vmem_shared>>) target_semaphore(%run_scoped3A : memref<!tpu.dma_semaphore, #tpu.memory_space<semaphore_mem>>)
      %dma_wait3A_168 = arith.constant 0 : i32
      %dma_wait3A_169 = tpu.memref_slice %arg20[%multiple_of3A_21, %dma_wait3A_168] : memref<10240x128xf32, #tpu.memory_space<vmem_shared>> -> memref<40x128xf32, #tpu.memory_space<vmem_shared>>
      %dma_wait3A_170 = arith.constant 0 : i32
      %dma_wait3A_171 = tpu.memref_slice %arg20[%multiple_of3A_21, %dma_wait3A_170] : memref<10240x128xf32, #tpu.memory_space<vmem_shared>> -> memref<40x128xf32, #tpu.memory_space<vmem_shared>>
      tpu.wait_dma2 semaphore(%run_scoped3A : memref<!tpu.dma_semaphore, #tpu.memory_space<semaphore_mem>>) src(%arg13 : memref<40x128xf32, #tpu.memory_space<vmem>>) dst(%dma_wait3A_171 : memref<40x128xf32, #tpu.memory_space<vmem_shared>>)
      tpu.yield
    }) : () -> ()
    %mul3A_22 = arith.constant 640 : i32
    %mul3A_23 = arith.muli %arg1, %mul3A_22 : i32
    %add3A_24 = arith.constant 80 : i32
    %add3A_25 = arith.addi %mul3A_23, %add3A_24 : i32
    %multiple_of3A_26 = tpu.assume_multiple %add3A_25, 8 : i32
    "tpu.region"() ({
      %run_scoped3A = tpu.sem_alloc : memref<!tpu.dma_semaphore, #tpu.memory_space<semaphore_mem>>
      %dma_start3A_164 = arith.constant 0 : i32
      %dma_start3A_165 = tpu.memref_slice %arg20[%multiple_of3A_26, %dma_start3A_164] : memref<10240x128xf32, #tpu.memory_space<vmem_shared>> -> memref<40x128xf32, #tpu.memory_space<vmem_shared>>
      %dma_start3A_166 = arith.constant 0 : i32
      %dma_start3A_167 = tpu.memref_slice %arg20[%multiple_of3A_26, %dma_start3A_166] : memref<10240x128xf32, #tpu.memory_space<vmem_shared>> -> memref<40x128xf32, #tpu.memory_space<vmem_shared>>
      tpu.enqueue_dma source(%arg13 : memref<40x128xf32, #tpu.memory_space<vmem>>) target(%dma_start3A_167 : memref<40x128xf32, #tpu.memory_space<vmem_shared>>) target_semaphore(%run_scoped3A : memref<!tpu.dma_semaphore, #tpu.memory_space<semaphore_mem>>)
      %dma_wait3A_168 = arith.constant 0 : i32
      %dma_wait3A_169 = tpu.memref_slice %arg20[%multiple_of3A_26, %dma_wait3A_168] : memref<10240x128xf32, #tpu.memory_space<vmem_shared>> -> memref<40x128xf32, #tpu.memory_space<vmem_shared>>
      %dma_wait3A_170 = arith.constant 0 : i32
      %dma_wait3A_171 = tpu.memref_slice %arg20[%multiple_of3A_26, %dma_wait3A_170] : memref<10240x128xf32, #tpu.memory_space<vmem_shared>> -> memref<40x128xf32, #tpu.memory_space<vmem_shared>>
      tpu.wait_dma2 semaphore(%run_scoped3A : memref<!tpu.dma_semaphore, #tpu.memory_space<semaphore_mem>>) src(%arg13 : memref<40x128xf32, #tpu.memory_space<vmem>>) dst(%dma_wait3A_171 : memref<40x128xf32, #tpu.memory_space<vmem_shared>>)
      tpu.yield
    }) : () -> ()
    %mul3A_27 = arith.constant 640 : i32
    %mul3A_28 = arith.muli %arg1, %mul3A_27 : i32
    %add3A_29 = arith.constant 120 : i32
    %add3A_30 = arith.addi %mul3A_28, %add3A_29 : i32
    %multiple_of3A_31 = tpu.assume_multiple %add3A_30, 8 : i32
    "tpu.region"() ({
      %run_scoped3A = tpu.sem_alloc : memref<!tpu.dma_semaphore, #tpu.memory_space<semaphore_mem>>
      %dma_start3A_164 = arith.constant 0 : i32
      %dma_start3A_165 = tpu.memref_slice %arg20[%multiple_of3A_31, %dma_start3A_164] : memref<10240x128xf32, #tpu.memory_space<vmem_shared>> -> memref<40x128xf32, #tpu.memory_space<vmem_shared>>
      %dma_start3A_166 = arith.constant 0 : i32
      %dma_start3A_167 = tpu.memref_slice %arg20[%multiple_of3A_31, %dma_start3A_166] : memref<10240x128xf32, #tpu.memory_space<vmem_shared>> -> memref<40x128xf32, #tpu.memory_space<vmem_shared>>
      tpu.enqueue_dma source(%arg13 : memref<40x128xf32, #tpu.memory_space<vmem>>) target(%dma_start3A_167 : memref<40x128xf32, #tpu.memory_space<vmem_shared>>) target_semaphore(%run_scoped3A : memref<!tpu.dma_semaphore, #tpu.memory_space<semaphore_mem>>)
      %dma_wait3A_168 = arith.constant 0 : i32
      %dma_wait3A_169 = tpu.memref_slice %arg20[%multiple_of3A_31, %dma_wait3A_168] : memref<10240x128xf32, #tpu.memory_space<vmem_shared>> -> memref<40x128xf32, #tpu.memory_space<vmem_shared>>
      %dma_wait3A_170 = arith.constant 0 : i32
      %dma_wait3A_171 = tpu.memref_slice %arg20[%multiple_of3A_31, %dma_wait3A_170] : memref<10240x128xf32, #tpu.memory_space<vmem_shared>> -> memref<40x128xf32, #tpu.memory_space<vmem_shared>>
      tpu.wait_dma2 semaphore(%run_scoped3A : memref<!tpu.dma_semaphore, #tpu.memory_space<semaphore_mem>>) src(%arg13 : memref<40x128xf32, #tpu.memory_space<vmem>>) dst(%dma_wait3A_171 : memref<40x128xf32, #tpu.memory_space<vmem_shared>>)
      tpu.yield
    }) : () -> ()
    %mul3A_32 = arith.constant 640 : i32
    %mul3A_33 = arith.muli %arg1, %mul3A_32 : i32
    %add3A_34 = arith.constant 160 : i32
    %add3A_35 = arith.addi %mul3A_33, %add3A_34 : i32
    %multiple_of3A_36 = tpu.assume_multiple %add3A_35, 8 : i32
    "tpu.region"() ({
      %run_scoped3A = tpu.sem_alloc : memref<!tpu.dma_semaphore, #tpu.memory_space<semaphore_mem>>
      %dma_start3A_164 = arith.constant 0 : i32
      %dma_start3A_165 = tpu.memref_slice %arg20[%multiple_of3A_36, %dma_start3A_164] : memref<10240x128xf32, #tpu.memory_space<vmem_shared>> -> memref<40x128xf32, #tpu.memory_space<vmem_shared>>
      %dma_start3A_166 = arith.constant 0 : i32
      %dma_start3A_167 = tpu.memref_slice %arg20[%multiple_of3A_36, %dma_start3A_166] : memref<10240x128xf32, #tpu.memory_space<vmem_shared>> -> memref<40x128xf32, #tpu.memory_space<vmem_shared>>
      tpu.enqueue_dma source(%arg13 : memref<40x128xf32, #tpu.memory_space<vmem>>) target(%dma_start3A_167 : memref<40x128xf32, #tpu.memory_space<vmem_shared>>) target_semaphore(%run_scoped3A : memref<!tpu.dma_semaphore, #tpu.memory_space<semaphore_mem>>)
      %dma_wait3A_168 = arith.constant 0 : i32
      %dma_wait3A_169 = tpu.memref_slice %arg20[%multiple_of3A_36, %dma_wait3A_168] : memref<10240x128xf32, #tpu.memory_space<vmem_shared>> -> memref<40x128xf32, #tpu.memory_space<vmem_shared>>
      %dma_wait3A_170 = arith.constant 0 : i32
      %dma_wait3A_171 = tpu.memref_slice %arg20[%multiple_of3A_36, %dma_wait3A_170] : memref<10240x128xf32, #tpu.memory_space<vmem_shared>> -> memref<40x128xf32, #tpu.memory_space<vmem_shared>>
      tpu.wait_dma2 semaphore(%run_scoped3A : memref<!tpu.dma_semaphore, #tpu.memory_space<semaphore_mem>>) src(%arg13 : memref<40x128xf32, #tpu.memory_space<vmem>>) dst(%dma_wait3A_171 : memref<40x128xf32, #tpu.memory_space<vmem_shared>>)
      tpu.yield
    }) : () -> ()
    %mul3A_37 = arith.constant 640 : i32
    %mul3A_38 = arith.muli %arg1, %mul3A_37 : i32
    %add3A_39 = arith.constant 200 : i32
    %add3A_40 = arith.addi %mul3A_38, %add3A_39 : i32
    %multiple_of3A_41 = tpu.assume_multiple %add3A_40, 8 : i32
    "tpu.region"() ({
      %run_scoped3A = tpu.sem_alloc : memref<!tpu.dma_semaphore, #tpu.memory_space<semaphore_mem>>
      %dma_start3A_164 = arith.constant 0 : i32
      %dma_start3A_165 = tpu.memref_slice %arg20[%multiple_of3A_41, %dma_start3A_164] : memref<10240x128xf32, #tpu.memory_space<vmem_shared>> -> memref<40x128xf32, #tpu.memory_space<vmem_shared>>
      %dma_start3A_166 = arith.constant 0 : i32
      %dma_start3A_167 = tpu.memref_slice %arg20[%multiple_of3A_41, %dma_start3A_166] : memref<10240x128xf32, #tpu.memory_space<vmem_shared>> -> memref<40x128xf32, #tpu.memory_space<vmem_shared>>
      tpu.enqueue_dma source(%arg13 : memref<40x128xf32, #tpu.memory_space<vmem>>) target(%dma_start3A_167 : memref<40x128xf32, #tpu.memory_space<vmem_shared>>) target_semaphore(%run_scoped3A : memref<!tpu.dma_semaphore, #tpu.memory_space<semaphore_mem>>)
      %dma_wait3A_168 = arith.constant 0 : i32
      %dma_wait3A_169 = tpu.memref_slice %arg20[%multiple_of3A_41, %dma_wait3A_168] : memref<10240x128xf32, #tpu.memory_space<vmem_shared>> -> memref<40x128xf32, #tpu.memory_space<vmem_shared>>
      %dma_wait3A_170 = arith.constant 0 : i32
      %dma_wait3A_171 = tpu.memref_slice %arg20[%multiple_of3A_41, %dma_wait3A_170] : memref<10240x128xf32, #tpu.memory_space<vmem_shared>> -> memref<40x128xf32, #tpu.memory_space<vmem_shared>>
      tpu.wait_dma2 semaphore(%run_scoped3A : memref<!tpu.dma_semaphore, #tpu.memory_space<semaphore_mem>>) src(%arg13 : memref<40x128xf32, #tpu.memory_space<vmem>>) dst(%dma_wait3A_171 : memref<40x128xf32, #tpu.memory_space<vmem_shared>>)
      tpu.yield
    }) : () -> ()
    %mul3A_42 = arith.constant 640 : i32
    %mul3A_43 = arith.muli %arg1, %mul3A_42 : i32
    %add3A_44 = arith.constant 240 : i32
    %add3A_45 = arith.addi %mul3A_43, %add3A_44 : i32
    %multiple_of3A_46 = tpu.assume_multiple %add3A_45, 8 : i32
    "tpu.region"() ({
      %run_scoped3A = tpu.sem_alloc : memref<!tpu.dma_semaphore, #tpu.memory_space<semaphore_mem>>
      %dma_start3A_164 = arith.constant 0 : i32
      %dma_start3A_165 = tpu.memref_slice %arg20[%multiple_of3A_46, %dma_start3A_164] : memref<10240x128xf32, #tpu.memory_space<vmem_shared>> -> memref<40x128xf32, #tpu.memory_space<vmem_shared>>
      %dma_start3A_166 = arith.constant 0 : i32
      %dma_start3A_167 = tpu.memref_slice %arg20[%multiple_of3A_46, %dma_start3A_166] : memref<10240x128xf32, #tpu.memory_space<vmem_shared>> -> memref<40x128xf32, #tpu.memory_space<vmem_shared>>
      tpu.enqueue_dma source(%arg13 : memref<40x128xf32, #tpu.memory_space<vmem>>) target(%dma_start3A_167 : memref<40x128xf32, #tpu.memory_space<vmem_shared>>) target_semaphore(%run_scoped3A : memref<!tpu.dma_semaphore, #tpu.memory_space<semaphore_mem>>)
      %dma_wait3A_168 = arith.constant 0 : i32
      %dma_wait3A_169 = tpu.memref_slice %arg20[%multiple_of3A_46, %dma_wait3A_168] : memref<10240x128xf32, #tpu.memory_space<vmem_shared>> -> memref<40x128xf32, #tpu.memory_space<vmem_shared>>
      %dma_wait3A_170 = arith.constant 0 : i32
      %dma_wait3A_171 = tpu.memref_slice %arg20[%multiple_of3A_46, %dma_wait3A_170] : memref<10240x128xf32, #tpu.memory_space<vmem_shared>> -> memref<40x128xf32, #tpu.memory_space<vmem_shared>>
      tpu.wait_dma2 semaphore(%run_scoped3A : memref<!tpu.dma_semaphore, #tpu.memory_space<semaphore_mem>>) src(%arg13 : memref<40x128xf32, #tpu.memory_space<vmem>>) dst(%dma_wait3A_171 : memref<40x128xf32, #tpu.memory_space<vmem_shared>>)
      tpu.yield
    }) : () -> ()
    %mul3A_47 = arith.constant 640 : i32
    %mul3A_48 = arith.muli %arg1, %mul3A_47 : i32
    %add3A_49 = arith.constant 280 : i32
    %add3A_50 = arith.addi %mul3A_48, %add3A_49 : i32
    %multiple_of3A_51 = tpu.assume_multiple %add3A_50, 8 : i32
    "tpu.region"() ({
      %run_scoped3A = tpu.sem_alloc : memref<!tpu.dma_semaphore, #tpu.memory_space<semaphore_mem>>
      %dma_start3A_164 = arith.constant 0 : i32
      %dma_start3A_165 = tpu.memref_slice %arg20[%multiple_of3A_51, %dma_start3A_164] : memref<10240x128xf32, #tpu.memory_space<vmem_shared>> -> memref<40x128xf32, #tpu.memory_space<vmem_shared>>
      %dma_start3A_166 = arith.constant 0 : i32
      %dma_start3A_167 = tpu.memref_slice %arg20[%multiple_of3A_51, %dma_start3A_166] : memref<10240x128xf32, #tpu.memory_space<vmem_shared>> -> memref<40x128xf32, #tpu.memory_space<vmem_shared>>
      tpu.enqueue_dma source(%arg13 : memref<40x128xf32, #tpu.memory_space<vmem>>) target(%dma_start3A_167 : memref<40x128xf32, #tpu.memory_space<vmem_shared>>) target_semaphore(%run_scoped3A : memref<!tpu.dma_semaphore, #tpu.memory_space<semaphore_mem>>)
      %dma_wait3A_168 = arith.constant 0 : i32
      %dma_wait3A_169 = tpu.memref_slice %arg20[%multiple_of3A_51, %dma_wait3A_168] : memref<10240x128xf32, #tpu.memory_space<vmem_shared>> -> memref<40x128xf32, #tpu.memory_space<vmem_shared>>
      %dma_wait3A_170 = arith.constant 0 : i32
      %dma_wait3A_171 = tpu.memref_slice %arg20[%multiple_of3A_51, %dma_wait3A_170] : memref<10240x128xf32, #tpu.memory_space<vmem_shared>> -> memref<40x128xf32, #tpu.memory_space<vmem_shared>>
      tpu.wait_dma2 semaphore(%run_scoped3A : memref<!tpu.dma_semaphore, #tpu.memory_space<semaphore_mem>>) src(%arg13 : memref<40x128xf32, #tpu.memory_space<vmem>>) dst(%dma_wait3A_171 : memref<40x128xf32, #tpu.memory_space<vmem_shared>>)
      tpu.yield
    }) : () -> ()
    %mul3A_52 = arith.constant 640 : i32
    %mul3A_53 = arith.muli %arg1, %mul3A_52 : i32
    %add3A_54 = arith.constant 320 : i32
    %add3A_55 = arith.addi %mul3A_53, %add3A_54 : i32
    %multiple_of3A_56 = tpu.assume_multiple %add3A_55, 8 : i32
    "tpu.region"() ({
      %run_scoped3A = tpu.sem_alloc : memref<!tpu.dma_semaphore, #tpu.memory_space<semaphore_mem>>
      %dma_start3A_164 = arith.constant 0 : i32
      %dma_start3A_165 = tpu.memref_slice %arg20[%multiple_of3A_56, %dma_start3A_164] : memref<10240x128xf32, #tpu.memory_space<vmem_shared>> -> memref<40x128xf32, #tpu.memory_space<vmem_shared>>
      %dma_start3A_166 = arith.constant 0 : i32
      %dma_start3A_167 = tpu.memref_slice %arg20[%multiple_of3A_56, %dma_start3A_166] : memref<10240x128xf32, #tpu.memory_space<vmem_shared>> -> memref<40x128xf32, #tpu.memory_space<vmem_shared>>
      tpu.enqueue_dma source(%arg13 : memref<40x128xf32, #tpu.memory_space<vmem>>) target(%dma_start3A_167 : memref<40x128xf32, #tpu.memory_space<vmem_shared>>) target_semaphore(%run_scoped3A : memref<!tpu.dma_semaphore, #tpu.memory_space<semaphore_mem>>)
      %dma_wait3A_168 = arith.constant 0 : i32
      %dma_wait3A_169 = tpu.memref_slice %arg20[%multiple_of3A_56, %dma_wait3A_168] : memref<10240x128xf32, #tpu.memory_space<vmem_shared>> -> memref<40x128xf32, #tpu.memory_space<vmem_shared>>
      %dma_wait3A_170 = arith.constant 0 : i32
      %dma_wait3A_171 = tpu.memref_slice %arg20[%multiple_of3A_56, %dma_wait3A_170] : memref<10240x128xf32, #tpu.memory_space<vmem_shared>> -> memref<40x128xf32, #tpu.memory_space<vmem_shared>>
      tpu.wait_dma2 semaphore(%run_scoped3A : memref<!tpu.dma_semaphore, #tpu.memory_space<semaphore_mem>>) src(%arg13 : memref<40x128xf32, #tpu.memory_space<vmem>>) dst(%dma_wait3A_171 : memref<40x128xf32, #tpu.memory_space<vmem_shared>>)
      tpu.yield
    }) : () -> ()
    %mul3A_57 = arith.constant 640 : i32
    %mul3A_58 = arith.muli %arg1, %mul3A_57 : i32
    %add3A_59 = arith.constant 360 : i32
    %add3A_60 = arith.addi %mul3A_58, %add3A_59 : i32
    %multiple_of3A_61 = tpu.assume_multiple %add3A_60, 8 : i32
    "tpu.region"() ({
      %run_scoped3A = tpu.sem_alloc : memref<!tpu.dma_semaphore, #tpu.memory_space<semaphore_mem>>
      %dma_start3A_164 = arith.constant 0 : i32
      %dma_start3A_165 = tpu.memref_slice %arg20[%multiple_of3A_61, %dma_start3A_164] : memref<10240x128xf32, #tpu.memory_space<vmem_shared>> -> memref<40x128xf32, #tpu.memory_space<vmem_shared>>
      %dma_start3A_166 = arith.constant 0 : i32
      %dma_start3A_167 = tpu.memref_slice %arg20[%multiple_of3A_61, %dma_start3A_166] : memref<10240x128xf32, #tpu.memory_space<vmem_shared>> -> memref<40x128xf32, #tpu.memory_space<vmem_shared>>
      tpu.enqueue_dma source(%arg13 : memref<40x128xf32, #tpu.memory_space<vmem>>) target(%dma_start3A_167 : memref<40x128xf32, #tpu.memory_space<vmem_shared>>) target_semaphore(%run_scoped3A : memref<!tpu.dma_semaphore, #tpu.memory_space<semaphore_mem>>)
      %dma_wait3A_168 = arith.constant 0 : i32
      %dma_wait3A_169 = tpu.memref_slice %arg20[%multiple_of3A_61, %dma_wait3A_168] : memref<10240x128xf32, #tpu.memory_space<vmem_shared>> -> memref<40x128xf32, #tpu.memory_space<vmem_shared>>
      %dma_wait3A_170 = arith.constant 0 : i32
      %dma_wait3A_171 = tpu.memref_slice %arg20[%multiple_of3A_61, %dma_wait3A_170] : memref<10240x128xf32, #tpu.memory_space<vmem_shared>> -> memref<40x128xf32, #tpu.memory_space<vmem_shared>>
      tpu.wait_dma2 semaphore(%run_scoped3A : memref<!tpu.dma_semaphore, #tpu.memory_space<semaphore_mem>>) src(%arg13 : memref<40x128xf32, #tpu.memory_space<vmem>>) dst(%dma_wait3A_171 : memref<40x128xf32, #tpu.memory_space<vmem_shared>>)
      tpu.yield
    }) : () -> ()
    %mul3A_62 = arith.constant 640 : i32
    %mul3A_63 = arith.muli %arg1, %mul3A_62 : i32
    %add3A_64 = arith.constant 400 : i32
    %add3A_65 = arith.addi %mul3A_63, %add3A_64 : i32
    %multiple_of3A_66 = tpu.assume_multiple %add3A_65, 8 : i32
    "tpu.region"() ({
      %run_scoped3A = tpu.sem_alloc : memref<!tpu.dma_semaphore, #tpu.memory_space<semaphore_mem>>
      %dma_start3A_164 = arith.constant 0 : i32
      %dma_start3A_165 = tpu.memref_slice %arg20[%multiple_of3A_66, %dma_start3A_164] : memref<10240x128xf32, #tpu.memory_space<vmem_shared>> -> memref<40x128xf32, #tpu.memory_space<vmem_shared>>
      %dma_start3A_166 = arith.constant 0 : i32
      %dma_start3A_167 = tpu.memref_slice %arg20[%multiple_of3A_66, %dma_start3A_166] : memref<10240x128xf32, #tpu.memory_space<vmem_shared>> -> memref<40x128xf32, #tpu.memory_space<vmem_shared>>
      tpu.enqueue_dma source(%arg13 : memref<40x128xf32, #tpu.memory_space<vmem>>) target(%dma_start3A_167 : memref<40x128xf32, #tpu.memory_space<vmem_shared>>) target_semaphore(%run_scoped3A : memref<!tpu.dma_semaphore, #tpu.memory_space<semaphore_mem>>)
      %dma_wait3A_168 = arith.constant 0 : i32
      %dma_wait3A_169 = tpu.memref_slice %arg20[%multiple_of3A_66, %dma_wait3A_168] : memref<10240x128xf32, #tpu.memory_space<vmem_shared>> -> memref<40x128xf32, #tpu.memory_space<vmem_shared>>
      %dma_wait3A_170 = arith.constant 0 : i32
      %dma_wait3A_171 = tpu.memref_slice %arg20[%multiple_of3A_66, %dma_wait3A_170] : memref<10240x128xf32, #tpu.memory_space<vmem_shared>> -> memref<40x128xf32, #tpu.memory_space<vmem_shared>>
      tpu.wait_dma2 semaphore(%run_scoped3A : memref<!tpu.dma_semaphore, #tpu.memory_space<semaphore_mem>>) src(%arg13 : memref<40x128xf32, #tpu.memory_space<vmem>>) dst(%dma_wait3A_171 : memref<40x128xf32, #tpu.memory_space<vmem_shared>>)
      tpu.yield
    }) : () -> ()
    %mul3A_67 = arith.constant 640 : i32
    %mul3A_68 = arith.muli %arg1, %mul3A_67 : i32
    %add3A_69 = arith.constant 440 : i32
    %add3A_70 = arith.addi %mul3A_68, %add3A_69 : i32
    %multiple_of3A_71 = tpu.assume_multiple %add3A_70, 8 : i32
    "tpu.region"() ({
      %run_scoped3A = tpu.sem_alloc : memref<!tpu.dma_semaphore, #tpu.memory_space<semaphore_mem>>
      %dma_start3A_164 = arith.constant 0 : i32
      %dma_start3A_165 = tpu.memref_slice %arg20[%multiple_of3A_71, %dma_start3A_164] : memref<10240x128xf32, #tpu.memory_space<vmem_shared>> -> memref<40x128xf32, #tpu.memory_space<vmem_shared>>
      %dma_start3A_166 = arith.constant 0 : i32
      %dma_start3A_167 = tpu.memref_slice %arg20[%multiple_of3A_71, %dma_start3A_166] : memref<10240x128xf32, #tpu.memory_space<vmem_shared>> -> memref<40x128xf32, #tpu.memory_space<vmem_shared>>
      tpu.enqueue_dma source(%arg13 : memref<40x128xf32, #tpu.memory_space<vmem>>) target(%dma_start3A_167 : memref<40x128xf32, #tpu.memory_space<vmem_shared>>) target_semaphore(%run_scoped3A : memref<!tpu.dma_semaphore, #tpu.memory_space<semaphore_mem>>)
      %dma_wait3A_168 = arith.constant 0 : i32
      %dma_wait3A_169 = tpu.memref_slice %arg20[%multiple_of3A_71, %dma_wait3A_168] : memref<10240x128xf32, #tpu.memory_space<vmem_shared>> -> memref<40x128xf32, #tpu.memory_space<vmem_shared>>
      %dma_wait3A_170 = arith.constant 0 : i32
      %dma_wait3A_171 = tpu.memref_slice %arg20[%multiple_of3A_71, %dma_wait3A_170] : memref<10240x128xf32, #tpu.memory_space<vmem_shared>> -> memref<40x128xf32, #tpu.memory_space<vmem_shared>>
      tpu.wait_dma2 semaphore(%run_scoped3A : memref<!tpu.dma_semaphore, #tpu.memory_space<semaphore_mem>>) src(%arg13 : memref<40x128xf32, #tpu.memory_space<vmem>>) dst(%dma_wait3A_171 : memref<40x128xf32, #tpu.memory_space<vmem_shared>>)
      tpu.yield
    }) : () -> ()
    %mul3A_72 = arith.constant 640 : i32
    %mul3A_73 = arith.muli %arg1, %mul3A_72 : i32
    %add3A_74 = arith.constant 480 : i32
    %add3A_75 = arith.addi %mul3A_73, %add3A_74 : i32
    %multiple_of3A_76 = tpu.assume_multiple %add3A_75, 8 : i32
    "tpu.region"() ({
      %run_scoped3A = tpu.sem_alloc : memref<!tpu.dma_semaphore, #tpu.memory_space<semaphore_mem>>
      %dma_start3A_164 = arith.constant 0 : i32
      %dma_start3A_165 = tpu.memref_slice %arg20[%multiple_of3A_76, %dma_start3A_164] : memref<10240x128xf32, #tpu.memory_space<vmem_shared>> -> memref<40x128xf32, #tpu.memory_space<vmem_shared>>
      %dma_start3A_166 = arith.constant 0 : i32
      %dma_start3A_167 = tpu.memref_slice %arg20[%multiple_of3A_76, %dma_start3A_166] : memref<10240x128xf32, #tpu.memory_space<vmem_shared>> -> memref<40x128xf32, #tpu.memory_space<vmem_shared>>
      tpu.enqueue_dma source(%arg13 : memref<40x128xf32, #tpu.memory_space<vmem>>) target(%dma_start3A_167 : memref<40x128xf32, #tpu.memory_space<vmem_shared>>) target_semaphore(%run_scoped3A : memref<!tpu.dma_semaphore, #tpu.memory_space<semaphore_mem>>)
      %dma_wait3A_168 = arith.constant 0 : i32
      %dma_wait3A_169 = tpu.memref_slice %arg20[%multiple_of3A_76, %dma_wait3A_168] : memref<10240x128xf32, #tpu.memory_space<vmem_shared>> -> memref<40x128xf32, #tpu.memory_space<vmem_shared>>
      %dma_wait3A_170 = arith.constant 0 : i32
      %dma_wait3A_171 = tpu.memref_slice %arg20[%multiple_of3A_76, %dma_wait3A_170] : memref<10240x128xf32, #tpu.memory_space<vmem_shared>> -> memref<40x128xf32, #tpu.memory_space<vmem_shared>>
      tpu.wait_dma2 semaphore(%run_scoped3A : memref<!tpu.dma_semaphore, #tpu.memory_space<semaphore_mem>>) src(%arg13 : memref<40x128xf32, #tpu.memory_space<vmem>>) dst(%dma_wait3A_171 : memref<40x128xf32, #tpu.memory_space<vmem_shared>>)
      tpu.yield
    }) : () -> ()
    %mul3A_77 = arith.constant 640 : i32
    %mul3A_78 = arith.muli %arg1, %mul3A_77 : i32
    %add3A_79 = arith.constant 520 : i32
    %add3A_80 = arith.addi %mul3A_78, %add3A_79 : i32
    %multiple_of3A_81 = tpu.assume_multiple %add3A_80, 8 : i32
    "tpu.region"() ({
      %run_scoped3A = tpu.sem_alloc : memref<!tpu.dma_semaphore, #tpu.memory_space<semaphore_mem>>
      %dma_start3A_164 = arith.constant 0 : i32
      %dma_start3A_165 = tpu.memref_slice %arg20[%multiple_of3A_81, %dma_start3A_164] : memref<10240x128xf32, #tpu.memory_space<vmem_shared>> -> memref<40x128xf32, #tpu.memory_space<vmem_shared>>
      %dma_start3A_166 = arith.constant 0 : i32
      %dma_start3A_167 = tpu.memref_slice %arg20[%multiple_of3A_81, %dma_start3A_166] : memref<10240x128xf32, #tpu.memory_space<vmem_shared>> -> memref<40x128xf32, #tpu.memory_space<vmem_shared>>
      tpu.enqueue_dma source(%arg13 : memref<40x128xf32, #tpu.memory_space<vmem>>) target(%dma_start3A_167 : memref<40x128xf32, #tpu.memory_space<vmem_shared>>) target_semaphore(%run_scoped3A : memref<!tpu.dma_semaphore, #tpu.memory_space<semaphore_mem>>)
      %dma_wait3A_168 = arith.constant 0 : i32
      %dma_wait3A_169 = tpu.memref_slice %arg20[%multiple_of3A_81, %dma_wait3A_168] : memref<10240x128xf32, #tpu.memory_space<vmem_shared>> -> memref<40x128xf32, #tpu.memory_space<vmem_shared>>
      %dma_wait3A_170 = arith.constant 0 : i32
      %dma_wait3A_171 = tpu.memref_slice %arg20[%multiple_of3A_81, %dma_wait3A_170] : memref<10240x128xf32, #tpu.memory_space<vmem_shared>> -> memref<40x128xf32, #tpu.memory_space<vmem_shared>>
      tpu.wait_dma2 semaphore(%run_scoped3A : memref<!tpu.dma_semaphore, #tpu.memory_space<semaphore_mem>>) src(%arg13 : memref<40x128xf32, #tpu.memory_space<vmem>>) dst(%dma_wait3A_171 : memref<40x128xf32, #tpu.memory_space<vmem_shared>>)
      tpu.yield
    }) : () -> ()
    %mul3A_82 = arith.constant 640 : i32
    %mul3A_83 = arith.muli %arg1, %mul3A_82 : i32
    %add3A_84 = arith.constant 560 : i32
    %add3A_85 = arith.addi %mul3A_83, %add3A_84 : i32
    %multiple_of3A_86 = tpu.assume_multiple %add3A_85, 8 : i32
    "tpu.region"() ({
      %run_scoped3A = tpu.sem_alloc : memref<!tpu.dma_semaphore, #tpu.memory_space<semaphore_mem>>
      %dma_start3A_164 = arith.constant 0 : i32
      %dma_start3A_165 = tpu.memref_slice %arg20[%multiple_of3A_86, %dma_start3A_164] : memref<10240x128xf32, #tpu.memory_space<vmem_shared>> -> memref<40x128xf32, #tpu.memory_space<vmem_shared>>
      %dma_start3A_166 = arith.constant 0 : i32
      %dma_start3A_167 = tpu.memref_slice %arg20[%multiple_of3A_86, %dma_start3A_166] : memref<10240x128xf32, #tpu.memory_space<vmem_shared>> -> memref<40x128xf32, #tpu.memory_space<vmem_shared>>
      tpu.enqueue_dma source(%arg13 : memref<40x128xf32, #tpu.memory_space<vmem>>) target(%dma_start3A_167 : memref<40x128xf32, #tpu.memory_space<vmem_shared>>) target_semaphore(%run_scoped3A : memref<!tpu.dma_semaphore, #tpu.memory_space<semaphore_mem>>)
      %dma_wait3A_168 = arith.constant 0 : i32
      %dma_wait3A_169 = tpu.memref_slice %arg20[%multiple_of3A_86, %dma_wait3A_168] : memref<10240x128xf32, #tpu.memory_space<vmem_shared>> -> memref<40x128xf32, #tpu.memory_space<vmem_shared>>
      %dma_wait3A_170 = arith.constant 0 : i32
      %dma_wait3A_171 = tpu.memref_slice %arg20[%multiple_of3A_86, %dma_wait3A_170] : memref<10240x128xf32, #tpu.memory_space<vmem_shared>> -> memref<40x128xf32, #tpu.memory_space<vmem_shared>>
      tpu.wait_dma2 semaphore(%run_scoped3A : memref<!tpu.dma_semaphore, #tpu.memory_space<semaphore_mem>>) src(%arg13 : memref<40x128xf32, #tpu.memory_space<vmem>>) dst(%dma_wait3A_171 : memref<40x128xf32, #tpu.memory_space<vmem_shared>>)
      tpu.yield
    }) : () -> ()
    %mul3A_87 = arith.constant 640 : i32
    %mul3A_88 = arith.muli %arg1, %mul3A_87 : i32
    %add3A_89 = arith.constant 600 : i32
    %add3A_90 = arith.addi %mul3A_88, %add3A_89 : i32
    %multiple_of3A_91 = tpu.assume_multiple %add3A_90, 8 : i32
    "tpu.region"() ({
      %run_scoped3A = tpu.sem_alloc : memref<!tpu.dma_semaphore, #tpu.memory_space<semaphore_mem>>
      %dma_start3A_164 = arith.constant 0 : i32
      %dma_start3A_165 = tpu.memref_slice %arg20[%multiple_of3A_91, %dma_start3A_164] : memref<10240x128xf32, #tpu.memory_space<vmem_shared>> -> memref<40x128xf32, #tpu.memory_space<vmem_shared>>
      %dma_start3A_166 = arith.constant 0 : i32
      %dma_start3A_167 = tpu.memref_slice %arg20[%multiple_of3A_91, %dma_start3A_166] : memref<10240x128xf32, #tpu.memory_space<vmem_shared>> -> memref<40x128xf32, #tpu.memory_space<vmem_shared>>
      tpu.enqueue_dma source(%arg13 : memref<40x128xf32, #tpu.memory_space<vmem>>) target(%dma_start3A_167 : memref<40x128xf32, #tpu.memory_space<vmem_shared>>) target_semaphore(%run_scoped3A : memref<!tpu.dma_semaphore, #tpu.memory_space<semaphore_mem>>)
      %dma_wait3A_168 = arith.constant 0 : i32
      %dma_wait3A_169 = tpu.memref_slice %arg20[%multiple_of3A_91, %dma_wait3A_168] : memref<10240x128xf32, #tpu.memory_space<vmem_shared>> -> memref<40x128xf32, #tpu.memory_space<vmem_shared>>
      %dma_wait3A_170 = arith.constant 0 : i32
      %dma_wait3A_171 = tpu.memref_slice %arg20[%multiple_of3A_91, %dma_wait3A_170] : memref<10240x128xf32, #tpu.memory_space<vmem_shared>> -> memref<40x128xf32, #tpu.memory_space<vmem_shared>>
      tpu.wait_dma2 semaphore(%run_scoped3A : memref<!tpu.dma_semaphore, #tpu.memory_space<semaphore_mem>>) src(%arg13 : memref<40x128xf32, #tpu.memory_space<vmem>>) dst(%dma_wait3A_171 : memref<40x128xf32, #tpu.memory_space<vmem_shared>>)
      tpu.yield
    }) : () -> ()
    %scan3A_92 = arith.constant 0 : i32
    %scan3A_93 = arith.constant 0 : i32
    %scan3A_94 = arith.constant 640 : i32
    %scan3A_95 = arith.addi %scan3A_93, %scan3A_94 : i32
    %scan3A_96 = arith.constant 1 : i32
    scf.for %scan3A_164 = %scan3A_93 to %scan3A_95 step %scan3A_96  : i32 {
      %mul3A_165 = arith.constant 16 : i32
      %mul3A_166 = arith.muli %scan3A_164, %mul3A_165 : i32
      %swap3A = arith.index_cast %mul3A_166 : i32 to index
      %swap3A_167 = tpu.vector_load %arg19[%swap3A] {strides = array<i32>} : memref<10240xf32, #tpu.memory_space<vmem>>, vector<16xf32>,
      tpu.vector_store %arg19[%swap3A], %broadcast_in_dim3A_3 {strides = array<i32>} : memref<10240xf32, #tpu.memory_space<vmem>>, vector<16xf32>,
    }
    %scan3A_97 = arith.constant 640 : i32
    %barrier3A = arith.constant 0 : index
    tpu.barrier barrier_id(%barrier3A)
    %add3A_98 = arith.constant 0 : i32
    %add3A_99 = arith.addi %mul3A_2, %add3A_98 : i32
    %dma_start3A = arith.constant 0 : i32
    %dma_start3A_100 = tpu.memref_slice %arg9[%dma_start3A] : memref<48xi32, #tpu.memory_space<vmem>> -> memref<40xi32, #tpu.memory_space<vmem>>
    %dma_start3A_101 = tpu.memref_slice %arg5[%add3A_99] : memref<320000xi32, #tpu.memory_space<hbm>> -> memref<40xi32, #tpu.memory_space<hbm>>
    %dma_start3A_102 = arith.constant 0 : i32
    %dma_start3A_103 = tpu.memref_slice %arg9[%dma_start3A_102] : memref<48xi32, #tpu.memory_space<vmem>> -> memref<40xi32, #tpu.memory_space<vmem>>
    %dma_start3A_104 = tpu.memref_slice %arg5[%add3A_99] : memref<320000xi32, #tpu.memory_space<hbm>> -> memref<40xi32, #tpu.memory_space<hbm>>
    tpu.enqueue_dma source(%dma_start3A_104 : memref<40xi32, #tpu.memory_space<hbm>>) target(%dma_start3A_103 : memref<40xi32, #tpu.memory_space<vmem>>) target_semaphore(%arg21 : memref<!tpu.dma_semaphore, #tpu.memory_space<semaphore_mem>>)
    %dma_start3A_105 = arith.constant 0 : i32
    %dma_start3A_106 = tpu.memref_slice %arg10[%dma_start3A_105] : memref<48xi32, #tpu.memory_space<vmem>> -> memref<40xi32, #tpu.memory_space<vmem>>
    %dma_start3A_107 = tpu.memref_slice %arg6[%add3A_99] : memref<320000xi32, #tpu.memory_space<hbm>> -> memref<40xi32, #tpu.memory_space<hbm>>
    %dma_start3A_108 = arith.constant 0 : i32
    %dma_start3A_109 = tpu.memref_slice %arg10[%dma_start3A_108] : memref<48xi32, #tpu.memory_space<vmem>> -> memref<40xi32, #tpu.memory_space<vmem>>
    %dma_start3A_110 = tpu.memref_slice %arg6[%add3A_99] : memref<320000xi32, #tpu.memory_space<hbm>> -> memref<40xi32, #tpu.memory_space<hbm>>
    tpu.enqueue_dma source(%dma_start3A_110 : memref<40xi32, #tpu.memory_space<hbm>>) target(%dma_start3A_109 : memref<40xi32, #tpu.memory_space<vmem>>) target_semaphore(%arg21 : memref<!tpu.dma_semaphore, #tpu.memory_space<semaphore_mem>>)
    %add3A_111 = arith.constant 40 : i32
    %add3A_112 = arith.addi %mul3A_2, %add3A_111 : i32
    %dma_start3A_113 = arith.constant 0 : i32
    %dma_start3A_114 = tpu.memref_slice %arg14[%dma_start3A_113] : memref<48xi32, #tpu.memory_space<vmem>> -> memref<40xi32, #tpu.memory_space<vmem>>
    %dma_start3A_115 = tpu.memref_slice %arg5[%add3A_112] : memref<320000xi32, #tpu.memory_space<hbm>> -> memref<40xi32, #tpu.memory_space<hbm>>
    %dma_start3A_116 = arith.constant 0 : i32
    %dma_start3A_117 = tpu.memref_slice %arg14[%dma_start3A_116] : memref<48xi32, #tpu.memory_space<vmem>> -> memref<40xi32, #tpu.memory_space<vmem>>
    %dma_start3A_118 = tpu.memref_slice %arg5[%add3A_112] : memref<320000xi32, #tpu.memory_space<hbm>> -> memref<40xi32, #tpu.memory_space<hbm>>
    tpu.enqueue_dma source(%dma_start3A_118 : memref<40xi32, #tpu.memory_space<hbm>>) target(%dma_start3A_117 : memref<40xi32, #tpu.memory_space<vmem>>) target_semaphore(%arg22 : memref<!tpu.dma_semaphore, #tpu.memory_space<semaphore_mem>>)
    %dma_start3A_119 = arith.constant 0 : i32
    %dma_start3A_120 = tpu.memref_slice %arg15[%dma_start3A_119] : memref<48xi32, #tpu.memory_space<vmem>> -> memref<40xi32, #tpu.memory_space<vmem>>
    %dma_start3A_121 = tpu.memref_slice %arg6[%add3A_112] : memref<320000xi32, #tpu.memory_space<hbm>> -> memref<40xi32, #tpu.memory_space<hbm>>
    %dma_start3A_122 = arith.constant 0 : i32
    %dma_start3A_123 = tpu.memref_slice %arg15[%dma_start3A_122] : memref<48xi32, #tpu.memory_space<vmem>> -> memref<40xi32, #tpu.memory_space<vmem>>
    %dma_start3A_124 = tpu.memref_slice %arg6[%add3A_112] : memref<320000xi32, #tpu.memory_space<hbm>> -> memref<40xi32, #tpu.memory_space<hbm>>
    tpu.enqueue_dma source(%dma_start3A_124 : memref<40xi32, #tpu.memory_space<hbm>>) target(%dma_start3A_123 : memref<40xi32, #tpu.memory_space<vmem>>) target_semaphore(%arg22 : memref<!tpu.dma_semaphore, #tpu.memory_space<semaphore_mem>>)
    %add3A_125 = arith.constant 0 : i32
    %add3A_126 = arith.addi %mul3A_2, %add3A_125 : i32
    %dma_wait3A = arith.constant 0 : i32
    %dma_wait3A_127 = tpu.memref_slice %arg9[%dma_wait3A] : memref<48xi32, #tpu.memory_space<vmem>> -> memref<40xi32, #tpu.memory_space<vmem>>
    %dma_wait3A_128 = tpu.memref_slice %arg5[%add3A_126] : memref<320000xi32, #tpu.memory_space<hbm>> -> memref<40xi32, #tpu.memory_space<hbm>>
    %dma_wait3A_129 = arith.constant 0 : i32
    %dma_wait3A_130 = tpu.memref_slice %arg9[%dma_wait3A_129] : memref<48xi32, #tpu.memory_space<vmem>> -> memref<40xi32, #tpu.memory_space<vmem>>
    %dma_wait3A_131 = tpu.memref_slice %arg5[%add3A_126] : memref<320000xi32, #tpu.memory_space<hbm>> -> memref<40xi32, #tpu.memory_space<hbm>>
    tpu.wait_dma2 semaphore(%arg21 : memref<!tpu.dma_semaphore, #tpu.memory_space<semaphore_mem>>) src(%dma_wait3A_131 : memref<40xi32, #tpu.memory_space<hbm>>) dst(%dma_wait3A_130 : memref<40xi32, #tpu.memory_space<vmem>>)
    %dma_wait3A_132 = arith.constant 0 : i32
    %dma_wait3A_133 = tpu.memref_slice %arg10[%dma_wait3A_132] : memref<48xi32, #tpu.memory_space<vmem>> -> memref<40xi32, #tpu.memory_space<vmem>>
    %dma_wait3A_134 = tpu.memref_slice %arg6[%add3A_126] : memref<320000xi32, #tpu.memory_space<hbm>> -> memref<40xi32, #tpu.memory_space<hbm>>
    %dma_wait3A_135 = arith.constant 0 : i32
    %dma_wait3A_136 = tpu.memref_slice %arg10[%dma_wait3A_135] : memref<48xi32, #tpu.memory_space<vmem>> -> memref<40xi32, #tpu.memory_space<vmem>>
    %dma_wait3A_137 = tpu.memref_slice %arg6[%add3A_126] : memref<320000xi32, #tpu.memory_space<hbm>> -> memref<40xi32, #tpu.memory_space<hbm>>
    tpu.wait_dma2 semaphore(%arg21 : memref<!tpu.dma_semaphore, #tpu.memory_space<semaphore_mem>>) src(%dma_wait3A_137 : memref<40xi32, #tpu.memory_space<hbm>>) dst(%dma_wait3A_136 : memref<40xi32, #tpu.memory_space<vmem>>)
    %add3A_138 = arith.constant 0 : i32
    %add3A_139 = arith.addi %mul3A_2, %add3A_138 : i32
    %dma_start3A_140 = arith.constant 0 : i32
    %dma_start3A_141 = tpu.memref_slice %arg9[%dma_start3A_140] : memref<48xi32, #tpu.memory_space<vmem>> -> memref<40xi32, #tpu.memory_space<vmem>>
    %dma_start3A_142 = arith.constant 0 : i32
    %dma_start3A_143 = arith.constant 0 : i32
    %dma_start3A_144 = tpu.memref_slice %arg2[%dma_start3A_142, %dma_start3A_143] : memref<10000x128xf32, #tpu.memory_space<hbm>> -> memref<10000x128xf32, #tpu.memory_space<hbm>>
    tpu.enqueue_indirect_dma source(%dma_start3A_144 : memref<10000x128xf32, #tpu.memory_space<hbm>>) target(%arg11 : memref<40x128xf32, #tpu.memory_space<vmem>>) offsets(%dma_start3A_141 : memref<40xi32, #tpu.memory_space<vmem>>) semaphore(%arg23 : memref<!tpu.dma_semaphore, #tpu.memory_space<semaphore_mem>>)
    %dma_start3A_145 = arith.constant 0 : i32
    %dma_start3A_146 = tpu.memref_slice %arg10[%dma_start3A_145] : memref<48xi32, #tpu.memory_space<vmem>> -> memref<40xi32, #tpu.memory_space<vmem>>
    %dma_start3A_147 = arith.constant 0 : i32
    %dma_start3A_148 = arith.constant 0 : i32
    %dma_start3A_149 = tpu.memref_slice %arg3[%dma_start3A_147, %dma_start3A_148] : memref<10000x128xf32, #tpu.memory_space<hbm>> -> memref<10000x128xf32, #tpu.memory_space<hbm>>
    tpu.enqueue_indirect_dma source(%dma_start3A_149 : memref<10000x128xf32, #tpu.memory_space<hbm>>) target(%arg12 : memref<40x128xf32, #tpu.memory_space<vmem>>) offsets(%dma_start3A_146 : memref<40xi32, #tpu.memory_space<vmem>>) semaphore(%arg23 : memref<!tpu.dma_semaphore, #tpu.memory_space<semaphore_mem>>)
    %dma_start3A_150 = arith.constant 0 : i32
    %dma_start3A_151 = tpu.memref_slice %arg4[%add3A_139, %dma_start3A_150] : memref<320000x128xf32, #tpu.memory_space<hbm>> -> memref<40x128xf32, #tpu.memory_space<hbm>>
    %dma_start3A_152 = arith.constant 0 : i32
    %dma_start3A_153 = tpu.memref_slice %arg4[%add3A_139, %dma_start3A_152] : memref<320000x128xf32, #tpu.memory_space<hbm>> -> memref<40x128xf32, #tpu.memory_space<hbm>>
    tpu.enqueue_dma source(%dma_start3A_153 : memref<40x128xf32, #tpu.memory_space<hbm>>) target(%arg13 : memref<40x128xf32, #tpu.memory_space<vmem>>) target_semaphore(%arg23 : memref<!tpu.dma_semaphore, #tpu.memory_space<semaphore_mem>>)
    %scan3A_154 = arith.constant 0 : i32
    %scan3A_155 = arith.constant 0 : i32
    %scan3A_156 = arith.constant 125 : i32
    %scan3A_157 = arith.addi %scan3A_155, %scan3A_156 : i32
    %scan3A_158 = arith.constant 1 : i32
    scf.for %scan3A_164 = %scan3A_155 to %scan3A_157 step %scan3A_158  : i32 {
      %mul3A_165 = arith.constant 2 : i32
      %mul3A_166 = arith.muli %scan3A_164, %mul3A_165 : i32
      %add3A_167 = arith.constant 0 : i32
      %add3A_168 = arith.addi %mul3A_166, %add3A_167 : i32
      %mul3A_169 = arith.constant 40 : i32
      %mul3A_170 = arith.muli %add3A_168, %mul3A_169 : i32
      %add3A_171 = arith.addi %mul3A_2, %mul3A_170 : i32
      %dma_wait3A_172 = arith.constant 0 : i32
      %dma_wait3A_173 = tpu.memref_slice %arg9[%dma_wait3A_172] : memref<48xi32, #tpu.memory_space<vmem>> -> memref<40xi32, #tpu.memory_space<vmem>>
      %dma_wait3A_174 = arith.constant 0 : i32
      %dma_wait3A_175 = arith.constant 0 : i32
      %dma_wait3A_176 = tpu.memref_slice %arg2[%dma_wait3A_174, %dma_wait3A_175] : memref<10000x128xf32, #tpu.memory_space<hbm>> -> memref<10000x128xf32, #tpu.memory_space<hbm>>
      tpu.wait_indirect_dma semaphore(%arg23 : memref<!tpu.dma_semaphore, #tpu.memory_space<semaphore_mem>>) src(%dma_wait3A_176 : memref<10000x128xf32, #tpu.memory_space<hbm>>) dst(%arg11 : memref<40x128xf32, #tpu.memory_space<vmem>>)
      %dma_wait3A_177 = arith.constant 0 : i32
      %dma_wait3A_178 = tpu.memref_slice %arg10[%dma_wait3A_177] : memref<48xi32, #tpu.memory_space<vmem>> -> memref<40xi32, #tpu.memory_space<vmem>>
      %dma_wait3A_179 = arith.constant 0 : i32
      %dma_wait3A_180 = arith.constant 0 : i32
      %dma_wait3A_181 = tpu.memref_slice %arg3[%dma_wait3A_179, %dma_wait3A_180] : memref<10000x128xf32, #tpu.memory_space<hbm>> -> memref<10000x128xf32, #tpu.memory_space<hbm>>
      tpu.wait_indirect_dma semaphore(%arg23 : memref<!tpu.dma_semaphore, #tpu.memory_space<semaphore_mem>>) src(%dma_wait3A_181 : memref<10000x128xf32, #tpu.memory_space<hbm>>) dst(%arg12 : memref<40x128xf32, #tpu.memory_space<vmem>>)
      %dma_wait3A_182 = arith.constant 0 : i32
      %dma_wait3A_183 = tpu.memref_slice %arg4[%add3A_171, %dma_wait3A_182] : memref<320000x128xf32, #tpu.memory_space<hbm>> -> memref<40x128xf32, #tpu.memory_space<hbm>>
      %dma_wait3A_184 = arith.constant 0 : i32
      %dma_wait3A_185 = tpu.memref_slice %arg4[%add3A_171, %dma_wait3A_184] : memref<320000x128xf32, #tpu.memory_space<hbm>> -> memref<40x128xf32, #tpu.memory_space<hbm>>
      tpu.wait_dma2 semaphore(%arg23 : memref<!tpu.dma_semaphore, #tpu.memory_space<semaphore_mem>>) src(%dma_wait3A_185 : memref<40x128xf32, #tpu.memory_space<hbm>>) dst(%arg13 : memref<40x128xf32, #tpu.memory_space<vmem>>)
      %add3A_186 = arith.constant 1 : i32
      %add3A_187 = arith.addi %add3A_168, %add3A_186 : i32
      %lt3A_188 = arith.constant 250 : i32
      %lt3A_189 = arith.cmpi slt, %add3A_187, %lt3A_188 : i32
      %convert_element_type3A = arith.extui %lt3A_189 : i1 to i32
      %cond3A = arith.constant 0 : i32
      %cond3A_190 = arith.cmpi ne, %convert_element_type3A, %cond3A : i32
      scf.if %cond3A_190 {
        %add3A_256 = arith.constant 1 : i32
        %add3A_257 = arith.addi %add3A_168, %add3A_256 : i32
        %mul3A_258 = arith.constant 40 : i32
        %mul3A_259 = arith.muli %add3A_257, %mul3A_258 : i32
        %add3A_260 = arith.addi %mul3A_2, %mul3A_259 : i32
        %dma_wait3A_261 = arith.constant 0 : i32
        %dma_wait3A_262 = tpu.memref_slice %arg14[%dma_wait3A_261] : memref<48xi32, #tpu.memory_space<vmem>> -> memref<40xi32, #tpu.memory_space<vmem>>
        %dma_wait3A_263 = tpu.memref_slice %arg5[%add3A_260] : memref<320000xi32, #tpu.memory_space<hbm>> -> memref<40xi32, #tpu.memory_space<hbm>>
        %dma_wait3A_264 = arith.constant 0 : i32
        %dma_wait3A_265 = tpu.memref_slice %arg14[%dma_wait3A_264] : memref<48xi32, #tpu.memory_space<vmem>> -> memref<40xi32, #tpu.memory_space<vmem>>
        %dma_wait3A_266 = tpu.memref_slice %arg5[%add3A_260] : memref<320000xi32, #tpu.memory_space<hbm>> -> memref<40xi32, #tpu.memory_space<hbm>>
        tpu.wait_dma2 semaphore(%arg22 : memref<!tpu.dma_semaphore, #tpu.memory_space<semaphore_mem>>) src(%dma_wait3A_266 : memref<40xi32, #tpu.memory_space<hbm>>) dst(%dma_wait3A_265 : memref<40xi32, #tpu.memory_space<vmem>>)
        %dma_wait3A_267 = arith.constant 0 : i32
        %dma_wait3A_268 = tpu.memref_slice %arg15[%dma_wait3A_267] : memref<48xi32, #tpu.memory_space<vmem>> -> memref<40xi32, #tpu.memory_space<vmem>>
        %dma_wait3A_269 = tpu.memref_slice %arg6[%add3A_260] : memref<320000xi32, #tpu.memory_space<hbm>> -> memref<40xi32, #tpu.memory_space<hbm>>
        %dma_wait3A_270 = arith.constant 0 : i32
        %dma_wait3A_271 = tpu.memref_slice %arg15[%dma_wait3A_270] : memref<48xi32, #tpu.memory_space<vmem>> -> memref<40xi32, #tpu.memory_space<vmem>>
        %dma_wait3A_272 = tpu.memref_slice %arg6[%add3A_260] : memref<320000xi32, #tpu.memory_space<hbm>> -> memref<40xi32, #tpu.memory_space<hbm>>
        tpu.wait_dma2 semaphore(%arg22 : memref<!tpu.dma_semaphore, #tpu.memory_space<semaphore_mem>>) src(%dma_wait3A_272 : memref<40xi32, #tpu.memory_space<hbm>>) dst(%dma_wait3A_271 : memref<40xi32, #tpu.memory_space<vmem>>)
        %add3A_273 = arith.constant 1 : i32
        %add3A_274 = arith.addi %add3A_168, %add3A_273 : i32
        %mul3A_275 = arith.constant 40 : i32
        %mul3A_276 = arith.muli %add3A_274, %mul3A_275 : i32
        %add3A_277 = arith.addi %mul3A_2, %mul3A_276 : i32
        %dma_start3A_278 = arith.constant 0 : i32
        %dma_start3A_279 = tpu.memref_slice %arg14[%dma_start3A_278] : memref<48xi32, #tpu.memory_space<vmem>> -> memref<40xi32, #tpu.memory_space<vmem>>
        %dma_start3A_280 = arith.constant 0 : i32
        %dma_start3A_281 = arith.constant 0 : i32
        %dma_start3A_282 = tpu.memref_slice %arg2[%dma_start3A_280, %dma_start3A_281] : memref<10000x128xf32, #tpu.memory_space<hbm>> -> memref<10000x128xf32, #tpu.memory_space<hbm>>
        tpu.enqueue_indirect_dma source(%dma_start3A_282 : memref<10000x128xf32, #tpu.memory_space<hbm>>) target(%arg16 : memref<40x128xf32, #tpu.memory_space<vmem>>) offsets(%dma_start3A_279 : memref<40xi32, #tpu.memory_space<vmem>>) semaphore(%arg24 : memref<!tpu.dma_semaphore, #tpu.memory_space<semaphore_mem>>)
        %dma_start3A_283 = arith.constant 0 : i32
        %dma_start3A_284 = tpu.memref_slice %arg15[%dma_start3A_283] : memref<48xi32, #tpu.memory_space<vmem>> -> memref<40xi32, #tpu.memory_space<vmem>>
        %dma_start3A_285 = arith.constant 0 : i32
        %dma_start3A_286 = arith.constant 0 : i32
        %dma_start3A_287 = tpu.memref_slice %arg3[%dma_start3A_285, %dma_start3A_286] : memref<10000x128xf32, #tpu.memory_space<hbm>> -> memref<10000x128xf32, #tpu.memory_space<hbm>>
        tpu.enqueue_indirect_dma source(%dma_start3A_287 : memref<10000x128xf32, #tpu.memory_space<hbm>>) target(%arg17 : memref<40x128xf32, #tpu.memory_space<vmem>>) offsets(%dma_start3A_284 : memref<40xi32, #tpu.memory_space<vmem>>) semaphore(%arg24 : memref<!tpu.dma_semaphore, #tpu.memory_space<semaphore_mem>>)
        %dma_start3A_288 = arith.constant 0 : i32
        %dma_start3A_289 = tpu.memref_slice %arg4[%add3A_277, %dma_start3A_288] : memref<320000x128xf32, #tpu.memory_space<hbm>> -> memref<40x128xf32, #tpu.memory_space<hbm>>
        %dma_start3A_290 = arith.constant 0 : i32
        %dma_start3A_291 = tpu.memref_slice %arg4[%add3A_277, %dma_start3A_290] : memref<320000x128xf32, #tpu.memory_space<hbm>> -> memref<40x128xf32, #tpu.memory_space<hbm>>
        tpu.enqueue_dma source(%dma_start3A_291 : memref<40x128xf32, #tpu.memory_space<hbm>>) target(%arg18 : memref<40x128xf32, #tpu.memory_space<vmem>>) target_semaphore(%arg24 : memref<!tpu.dma_semaphore, #tpu.memory_space<semaphore_mem>>)
      } else {
      }
      %scan3A_191 = arith.constant 0 : i32
      %scan3A_192 = arith.constant 0 : i32
      %scan3A_193 = arith.constant 40 : i32
      %scan3A_194 = arith.addi %scan3A_192, %scan3A_193 : i32
      %scan3A_195 = arith.constant 1 : i32
      scf.for %scan3A_256 = %scan3A_192 to %scan3A_194 step %scan3A_195  : i32 {
        %get3A_257 = arith.index_cast %scan3A_256 : i32 to index
        %get3A_258 = arith.constant 0 : index
        %get3A_259 = tpu.vector_load %arg13[%get3A_257, %get3A_258] {strides = array<i32>} : memref<40x128xf32, #tpu.memory_space<vmem>>, vector<16xf32>,
        %get3A_260 = arith.index_cast %scan3A_256 : i32 to index
        %get3A_261 = arith.constant 0 : index
        %get3A_262 = tpu.vector_load %arg11[%get3A_260, %get3A_261] {strides = array<i32>} : memref<40x128xf32, #tpu.memory_space<vmem>>, vector<16xf32>,
        %add3A_263 = arith.addf %get3A_259, %get3A_262 : vector<16xf32>
        %get3A_264 = arith.index_cast %scan3A_256 : i32 to index
        %get3A_265 = arith.constant 0 : index
        %get3A_266 = tpu.vector_load %arg12[%get3A_264, %get3A_265] {strides = array<i32>} : memref<40x128xf32, #tpu.memory_space<vmem>>, vector<16xf32>,
        %add3A_267 = arith.addf %add3A_263, %get3A_266 : vector<16xf32>
        %max3A = arith.constant 0.000000e+00 : f32
        %max3A_268 = vector.broadcast %max3A : f32 to vector<16xf32>
        %max3A_269 = arith.maximumf %add3A_267, %max3A_268 : vector<16xf32>
        %swap3A = arith.index_cast %scan3A_256 : i32 to index
        %swap3A_270 = arith.constant 0 : index
        %swap3A_271 = tpu.vector_load %arg13[%swap3A, %swap3A_270] {strides = array<i32>} : memref<40x128xf32, #tpu.memory_space<vmem>>, vector<16xf32>,
        tpu.vector_store %arg13[%swap3A, %swap3A_270], %max3A_269 {strides = array<i32>} : memref<40x128xf32, #tpu.memory_space<vmem>>, vector<16xf32>,
        %get3A_272 = arith.index_cast %scan3A_256 : i32 to index
        %get3A_273 = arith.constant 16 : index
        %get3A_274 = tpu.vector_load %arg13[%get3A_272, %get3A_273] {strides = array<i32>} : memref<40x128xf32, #tpu.memory_space<vmem>>, vector<16xf32>,
        %get3A_275 = arith.index_cast %scan3A_256 : i32 to index
        %get3A_276 = arith.constant 16 : index
        %get3A_277 = tpu.vector_load %arg11[%get3A_275, %get3A_276] {strides = array<i32>} : memref<40x128xf32, #tpu.memory_space<vmem>>, vector<16xf32>,
        %add3A_278 = arith.addf %get3A_274, %get3A_277 : vector<16xf32>
        %get3A_279 = arith.index_cast %scan3A_256 : i32 to index
        %get3A_280 = arith.constant 16 : index
        %get3A_281 = tpu.vector_load %arg12[%get3A_279, %get3A_280] {strides = array<i32>} : memref<40x128xf32, #tpu.memory_space<vmem>>, vector<16xf32>,
        %add3A_282 = arith.addf %add3A_278, %get3A_281 : vector<16xf32>
        %max3A_283 = arith.constant 0.000000e+00 : f32
        %max3A_284 = vector.broadcast %max3A_283 : f32 to vector<16xf32>
        %max3A_285 = arith.maximumf %add3A_282, %max3A_284 : vector<16xf32>
        %swap3A_286 = arith.index_cast %scan3A_256 : i32 to index
        %swap3A_287 = arith.constant 16 : index
        %swap3A_288 = tpu.vector_load %arg13[%swap3A_286, %swap3A_287] {strides = array<i32>} : memref<40x128xf32, #tpu.memory_space<vmem>>, vector<16xf32>,
        tpu.vector_store %arg13[%swap3A_286, %swap3A_287], %max3A_285 {strides = array<i32>} : memref<40x128xf32, #tpu.memory_space<vmem>>, vector<16xf32>,
        %get3A_289 = arith.index_cast %scan3A_256 : i32 to index
        %get3A_290 = arith.constant 32 : index
        %get3A_291 = tpu.vector_load %arg13[%get3A_289, %get3A_290] {strides = array<i32>} : memref<40x128xf32, #tpu.memory_space<vmem>>, vector<16xf32>,
        %get3A_292 = arith.index_cast %scan3A_256 : i32 to index
        %get3A_293 = arith.constant 32 : index
        %get3A_294 = tpu.vector_load %arg11[%get3A_292, %get3A_293] {strides = array<i32>} : memref<40x128xf32, #tpu.memory_space<vmem>>, vector<16xf32>,
        %add3A_295 = arith.addf %get3A_291, %get3A_294 : vector<16xf32>
        %get3A_296 = arith.index_cast %scan3A_256 : i32 to index
        %get3A_297 = arith.constant 32 : index
        %get3A_298 = tpu.vector_load %arg12[%get3A_296, %get3A_297] {strides = array<i32>} : memref<40x128xf32, #tpu.memory_space<vmem>>, vector<16xf32>,
        %add3A_299 = arith.addf %add3A_295, %get3A_298 : vector<16xf32>
        %max3A_300 = arith.constant 0.000000e+00 : f32
        %max3A_301 = vector.broadcast %max3A_300 : f32 to vector<16xf32>
        %max3A_302 = arith.maximumf %add3A_299, %max3A_301 : vector<16xf32>
        %swap3A_303 = arith.index_cast %scan3A_256 : i32 to index
        %swap3A_304 = arith.constant 32 : index
        %swap3A_305 = tpu.vector_load %arg13[%swap3A_303, %swap3A_304] {strides = array<i32>} : memref<40x128xf32, #tpu.memory_space<vmem>>, vector<16xf32>,
        tpu.vector_store %arg13[%swap3A_303, %swap3A_304], %max3A_302 {strides = array<i32>} : memref<40x128xf32, #tpu.memory_space<vmem>>, vector<16xf32>,
        %get3A_306 = arith.index_cast %scan3A_256 : i32 to index
        %get3A_307 = arith.constant 48 : index
        %get3A_308 = tpu.vector_load %arg13[%get3A_306, %get3A_307] {strides = array<i32>} : memref<40x128xf32, #tpu.memory_space<vmem>>, vector<16xf32>,
        %get3A_309 = arith.index_cast %scan3A_256 : i32 to index
        %get3A_310 = arith.constant 48 : index
        %get3A_311 = tpu.vector_load %arg11[%get3A_309, %get3A_310] {strides = array<i32>} : memref<40x128xf32, #tpu.memory_space<vmem>>, vector<16xf32>,
        %add3A_312 = arith.addf %get3A_308, %get3A_311 : vector<16xf32>
        %get3A_313 = arith.index_cast %scan3A_256 : i32 to index
        %get3A_314 = arith.constant 48 : index
        %get3A_315 = tpu.vector_load %arg12[%get3A_313, %get3A_314] {strides = array<i32>} : memref<40x128xf32, #tpu.memory_space<vmem>>, vector<16xf32>,
        %add3A_316 = arith.addf %add3A_312, %get3A_315 : vector<16xf32>
        %max3A_317 = arith.constant 0.000000e+00 : f32
        %max3A_318 = vector.broadcast %max3A_317 : f32 to vector<16xf32>
        %max3A_319 = arith.maximumf %add3A_316, %max3A_318 : vector<16xf32>
        %swap3A_320 = arith.index_cast %scan3A_256 : i32 to index
        %swap3A_321 = arith.constant 48 : index
        %swap3A_322 = tpu.vector_load %arg13[%swap3A_320, %swap3A_321] {strides = array<i32>} : memref<40x128xf32, #tpu.memory_space<vmem>>, vector<16xf32>,
        tpu.vector_store %arg13[%swap3A_320, %swap3A_321], %max3A_319 {strides = array<i32>} : memref<40x128xf32, #tpu.memory_space<vmem>>, vector<16xf32>,
        %get3A_323 = arith.index_cast %scan3A_256 : i32 to index
        %get3A_324 = arith.constant 64 : index
        %get3A_325 = tpu.vector_load %arg13[%get3A_323, %get3A_324] {strides = array<i32>} : memref<40x128xf32, #tpu.memory_space<vmem>>, vector<16xf32>,
        %get3A_326 = arith.index_cast %scan3A_256 : i32 to index
        %get3A_327 = arith.constant 64 : index
        %get3A_328 = tpu.vector_load %arg11[%get3A_326, %get3A_327] {strides = array<i32>} : memref<40x128xf32, #tpu.memory_space<vmem>>, vector<16xf32>,
        %add3A_329 = arith.addf %get3A_325, %get3A_328 : vector<16xf32>
        %get3A_330 = arith.index_cast %scan3A_256 : i32 to index
        %get3A_331 = arith.constant 64 : index
        %get3A_332 = tpu.vector_load %arg12[%get3A_330, %get3A_331] {strides = array<i32>} : memref<40x128xf32, #tpu.memory_space<vmem>>, vector<16xf32>,
        %add3A_333 = arith.addf %add3A_329, %get3A_332 : vector<16xf32>
        %max3A_334 = arith.constant 0.000000e+00 : f32
        %max3A_335 = vector.broadcast %max3A_334 : f32 to vector<16xf32>
        %max3A_336 = arith.maximumf %add3A_333, %max3A_335 : vector<16xf32>
        %swap3A_337 = arith.index_cast %scan3A_256 : i32 to index
        %swap3A_338 = arith.constant 64 : index
        %swap3A_339 = tpu.vector_load %arg13[%swap3A_337, %swap3A_338] {strides = array<i32>} : memref<40x128xf32, #tpu.memory_space<vmem>>, vector<16xf32>,
        tpu.vector_store %arg13[%swap3A_337, %swap3A_338], %max3A_336 {strides = array<i32>} : memref<40x128xf32, #tpu.memory_space<vmem>>, vector<16xf32>,
        %get3A_340 = arith.index_cast %scan3A_256 : i32 to index
        %get3A_341 = arith.constant 80 : index
        %get3A_342 = tpu.vector_load %arg13[%get3A_340, %get3A_341] {strides = array<i32>} : memref<40x128xf32, #tpu.memory_space<vmem>>, vector<16xf32>,
        %get3A_343 = arith.index_cast %scan3A_256 : i32 to index
        %get3A_344 = arith.constant 80 : index
        %get3A_345 = tpu.vector_load %arg11[%get3A_343, %get3A_344] {strides = array<i32>} : memref<40x128xf32, #tpu.memory_space<vmem>>, vector<16xf32>,
        %add3A_346 = arith.addf %get3A_342, %get3A_345 : vector<16xf32>
        %get3A_347 = arith.index_cast %scan3A_256 : i32 to index
        %get3A_348 = arith.constant 80 : index
        %get3A_349 = tpu.vector_load %arg12[%get3A_347, %get3A_348] {strides = array<i32>} : memref<40x128xf32, #tpu.memory_space<vmem>>, vector<16xf32>,
        %add3A_350 = arith.addf %add3A_346, %get3A_349 : vector<16xf32>
        %max3A_351 = arith.constant 0.000000e+00 : f32
        %max3A_352 = vector.broadcast %max3A_351 : f32 to vector<16xf32>
        %max3A_353 = arith.maximumf %add3A_350, %max3A_352 : vector<16xf32>
        %swap3A_354 = arith.index_cast %scan3A_256 : i32 to index
        %swap3A_355 = arith.constant 80 : index
        %swap3A_356 = tpu.vector_load %arg13[%swap3A_354, %swap3A_355] {strides = array<i32>} : memref<40x128xf32, #tpu.memory_space<vmem>>, vector<16xf32>,
        tpu.vector_store %arg13[%swap3A_354, %swap3A_355], %max3A_353 {strides = array<i32>} : memref<40x128xf32, #tpu.memory_space<vmem>>, vector<16xf32>,
        %get3A_357 = arith.index_cast %scan3A_256 : i32 to index
        %get3A_358 = arith.constant 96 : index
        %get3A_359 = tpu.vector_load %arg13[%get3A_357, %get3A_358] {strides = array<i32>} : memref<40x128xf32, #tpu.memory_space<vmem>>, vector<16xf32>,
        %get3A_360 = arith.index_cast %scan3A_256 : i32 to index
        %get3A_361 = arith.constant 96 : index
        %get3A_362 = tpu.vector_load %arg11[%get3A_360, %get3A_361] {strides = array<i32>} : memref<40x128xf32, #tpu.memory_space<vmem>>, vector<16xf32>,
        %add3A_363 = arith.addf %get3A_359, %get3A_362 : vector<16xf32>
        %get3A_364 = arith.index_cast %scan3A_256 : i32 to index
        %get3A_365 = arith.constant 96 : index
        %get3A_366 = tpu.vector_load %arg12[%get3A_364, %get3A_365] {strides = array<i32>} : memref<40x128xf32, #tpu.memory_space<vmem>>, vector<16xf32>,
        %add3A_367 = arith.addf %add3A_363, %get3A_366 : vector<16xf32>
        %max3A_368 = arith.constant 0.000000e+00 : f32
        %max3A_369 = vector.broadcast %max3A_368 : f32 to vector<16xf32>
        %max3A_370 = arith.maximumf %add3A_367, %max3A_369 : vector<16xf32>
        %swap3A_371 = arith.index_cast %scan3A_256 : i32 to index
        %swap3A_372 = arith.constant 96 : index
        %swap3A_373 = tpu.vector_load %arg13[%swap3A_371, %swap3A_372] {strides = array<i32>} : memref<40x128xf32, #tpu.memory_space<vmem>>, vector<16xf32>,
        tpu.vector_store %arg13[%swap3A_371, %swap3A_372], %max3A_370 {strides = array<i32>} : memref<40x128xf32, #tpu.memory_space<vmem>>, vector<16xf32>,
        %get3A_374 = arith.index_cast %scan3A_256 : i32 to index
        %get3A_375 = arith.constant 112 : index
        %get3A_376 = tpu.vector_load %arg13[%get3A_374, %get3A_375] {strides = array<i32>} : memref<40x128xf32, #tpu.memory_space<vmem>>, vector<16xf32>,
        %get3A_377 = arith.index_cast %scan3A_256 : i32 to index
        %get3A_378 = arith.constant 112 : index
        %get3A_379 = tpu.vector_load %arg11[%get3A_377, %get3A_378] {strides = array<i32>} : memref<40x128xf32, #tpu.memory_space<vmem>>, vector<16xf32>,
        %add3A_380 = arith.addf %get3A_376, %get3A_379 : vector<16xf32>
        %get3A_381 = arith.index_cast %scan3A_256 : i32 to index
        %get3A_382 = arith.constant 112 : index
        %get3A_383 = tpu.vector_load %arg12[%get3A_381, %get3A_382] {strides = array<i32>} : memref<40x128xf32, #tpu.memory_space<vmem>>, vector<16xf32>,
        %add3A_384 = arith.addf %add3A_380, %get3A_383 : vector<16xf32>
        %max3A_385 = arith.constant 0.000000e+00 : f32
        %max3A_386 = vector.broadcast %max3A_385 : f32 to vector<16xf32>
        %max3A_387 = arith.maximumf %add3A_384, %max3A_386 : vector<16xf32>
        %swap3A_388 = arith.index_cast %scan3A_256 : i32 to index
        %swap3A_389 = arith.constant 112 : index
        %swap3A_390 = tpu.vector_load %arg13[%swap3A_388, %swap3A_389] {strides = array<i32>} : memref<40x128xf32, #tpu.memory_space<vmem>>, vector<16xf32>,
        tpu.vector_store %arg13[%swap3A_388, %swap3A_389], %max3A_387 {strides = array<i32>} : memref<40x128xf32, #tpu.memory_space<vmem>>, vector<16xf32>,
      }
      %scan3A_196 = arith.constant 40 : i32
      %get3A = arith.constant 0 : index
      %get3A_197 = tpu.vector_load %arg9[%get3A] {strides = array<i32>} : memref<48xi32, #tpu.memory_space<vmem>>, vector<16xi32>,
      tpu.vector_store_idx %arg19[%get3A_197], %broadcast_in_dim3A_5 {add = true} : memref<10240xf32, #tpu.memory_space<vmem>>[vector<16xi32>], vector<16xf32>,
      %get3A_198 = arith.constant 16 : index
      %get3A_199 = tpu.vector_load %arg9[%get3A_198] {strides = array<i32>} : memref<48xi32, #tpu.memory_space<vmem>>, vector<16xi32>,
      tpu.vector_store_idx %arg19[%get3A_199], %broadcast_in_dim3A_5 {add = true} : memref<10240xf32, #tpu.memory_space<vmem>>[vector<16xi32>], vector<16xf32>,
      %get3A_200 = arith.constant 32 : index
      %get3A_201 = tpu.vector_load %arg9[%get3A_200] {strides = array<i32>} : memref<48xi32, #tpu.memory_space<vmem>>, vector<16xi32>,
      tpu.vector_store_idx %arg19[%get3A_201], %broadcast_in_dim3A_5 masked %lt3A_7 {add = true} : memref<10240xf32, #tpu.memory_space<vmem>>[vector<16xi32>], vector<16xf32>, vector<16xi1>
      "tpu.region"() ({
        %run_scoped3A = tpu.sem_alloc : memref<!tpu.dma_semaphore, #tpu.memory_space<semaphore_mem>>
        %dma_start3A_256 = arith.constant 0 : i32
        %dma_start3A_257 = tpu.memref_slice %arg9[%dma_start3A_256] : memref<48xi32, #tpu.memory_space<vmem>> -> memref<40xi32, #tpu.memory_space<vmem>>
        %dma_start3A_258 = arith.constant 0 : i32
        %dma_start3A_259 = arith.constant 0 : i32
        %dma_start3A_260 = tpu.memref_slice %arg20[%dma_start3A_258, %dma_start3A_259] : memref<10240x128xf32, #tpu.memory_space<vmem_shared>> -> memref<10240x128xf32, #tpu.memory_space<vmem_shared>>
        tpu.enqueue_indirect_dma source(%arg13 : memref<40x128xf32, #tpu.memory_space<vmem>>) target(%dma_start3A_260 : memref<10240x128xf32, #tpu.memory_space<vmem_shared>>) offsets(%dma_start3A_257 : memref<40xi32, #tpu.memory_space<vmem>>) semaphore(%run_scoped3A : memref<!tpu.dma_semaphore, #tpu.memory_space<semaphore_mem>>) {add = true}
        %dma_wait3A_261 = arith.constant 0 : i32
        %dma_wait3A_262 = tpu.memref_slice %arg9[%dma_wait3A_261] : memref<48xi32, #tpu.memory_space<vmem>> -> memref<40xi32, #tpu.memory_space<vmem>>
        %dma_wait3A_263 = arith.constant 0 : i32
        %dma_wait3A_264 = arith.constant 0 : i32
        %dma_wait3A_265 = tpu.memref_slice %arg20[%dma_wait3A_263, %dma_wait3A_264] : memref<10240x128xf32, #tpu.memory_space<vmem_shared>> -> memref<10240x128xf32, #tpu.memory_space<vmem_shared>>
        tpu.wait_indirect_dma semaphore(%run_scoped3A : memref<!tpu.dma_semaphore, #tpu.memory_space<semaphore_mem>>) src(%arg13 : memref<40x128xf32, #tpu.memory_space<vmem>>) dst(%dma_wait3A_265 : memref<10240x128xf32, #tpu.memory_space<vmem_shared>>)
        tpu.yield
      }) : () -> ()
      %add3A_202 = arith.constant 2 : i32
      %add3A_203 = arith.addi %add3A_168, %add3A_202 : i32
      %lt3A_204 = arith.constant 250 : i32
      %lt3A_205 = arith.cmpi slt, %add3A_203, %lt3A_204 : i32
      %convert_element_type3A_206 = arith.extui %lt3A_205 : i1 to i32
      %cond3A_207 = arith.constant 0 : i32
      %cond3A_208 = arith.cmpi ne, %convert_element_type3A_206, %cond3A_207 : i32
      scf.if %cond3A_208 {
        %add3A_256 = arith.constant 2 : i32
        %add3A_257 = arith.addi %add3A_168, %add3A_256 : i32
        %mul3A_258 = arith.constant 40 : i32
        %mul3A_259 = arith.muli %add3A_257, %mul3A_258 : i32
        %add3A_260 = arith.addi %mul3A_2, %mul3A_259 : i32
        %dma_start3A_261 = arith.constant 0 : i32
        %dma_start3A_262 = tpu.memref_slice %arg9[%dma_start3A_261] : memref<48xi32, #tpu.memory_space<vmem>> -> memref<40xi32, #tpu.memory_space<vmem>>
        %dma_start3A_263 = tpu.memref_slice %arg5[%add3A_260] : memref<320000xi32, #tpu.memory_space<hbm>> -> memref<40xi32, #tpu.memory_space<hbm>>
        %dma_start3A_264 = arith.constant 0 : i32
        %dma_start3A_265 = tpu.memref_slice %arg9[%dma_start3A_264] : memref<48xi32, #tpu.memory_space<vmem>> -> memref<40xi32, #tpu.memory_space<vmem>>
        %dma_start3A_266 = tpu.memref_slice %arg5[%add3A_260] : memref<320000xi32, #tpu.memory_space<hbm>> -> memref<40xi32, #tpu.memory_space<hbm>>
        tpu.enqueue_dma source(%dma_start3A_266 : memref<40xi32, #tpu.memory_space<hbm>>) target(%dma_start3A_265 : memref<40xi32, #tpu.memory_space<vmem>>) target_semaphore(%arg21 : memref<!tpu.dma_semaphore, #tpu.memory_space<semaphore_mem>>)
        %dma_start3A_267 = arith.constant 0 : i32
        %dma_start3A_268 = tpu.memref_slice %arg10[%dma_start3A_267] : memref<48xi32, #tpu.memory_space<vmem>> -> memref<40xi32, #tpu.memory_space<vmem>>
        %dma_start3A_269 = tpu.memref_slice %arg6[%add3A_260] : memref<320000xi32, #tpu.memory_space<hbm>> -> memref<40xi32, #tpu.memory_space<hbm>>
        %dma_start3A_270 = arith.constant 0 : i32
        %dma_start3A_271 = tpu.memref_slice %arg10[%dma_start3A_270] : memref<48xi32, #tpu.memory_space<vmem>> -> memref<40xi32, #tpu.memory_space<vmem>>
        %dma_start3A_272 = tpu.memref_slice %arg6[%add3A_260] : memref<320000xi32, #tpu.memory_space<hbm>> -> memref<40xi32, #tpu.memory_space<hbm>>
        tpu.enqueue_dma source(%dma_start3A_272 : memref<40xi32, #tpu.memory_space<hbm>>) target(%dma_start3A_271 : memref<40xi32, #tpu.memory_space<vmem>>) target_semaphore(%arg21 : memref<!tpu.dma_semaphore, #tpu.memory_space<semaphore_mem>>)
      } else {
      }
      %mul3A_209 = arith.constant 2 : i32
      %mul3A_210 = arith.muli %scan3A_164, %mul3A_209 : i32
      %add3A_211 = arith.constant 1 : i32
      %add3A_212 = arith.addi %mul3A_210, %add3A_211 : i32
      %mul3A_213 = arith.constant 40 : i32
      %mul3A_214 = arith.muli %add3A_212, %mul3A_213 : i32
      %add3A_215 = arith.addi %mul3A_2, %mul3A_214 : i32
      %dma_wait3A_216 = arith.constant 0 : i32
      %dma_wait3A_217 = tpu.memref_slice %arg14[%dma_wait3A_216] : memref<48xi32, #tpu.memory_space<vmem>> -> memref<40xi32, #tpu.memory_space<vmem>>
      %dma_wait3A_218 = arith.constant 0 : i32
      %dma_wait3A_219 = arith.constant 0 : i32
      %dma_wait3A_220 = tpu.memref_slice %arg2[%dma_wait3A_218, %dma_wait3A_219] : memref<10000x128xf32, #tpu.memory_space<hbm>> -> memref<10000x128xf32, #tpu.memory_space<hbm>>
      tpu.wait_indirect_dma semaphore(%arg24 : memref<!tpu.dma_semaphore, #tpu.memory_space<semaphore_mem>>) src(%dma_wait3A_220 : memref<10000x128xf32, #tpu.memory_space<hbm>>) dst(%arg16 : memref<40x128xf32, #tpu.memory_space<vmem>>)
      %dma_wait3A_221 = arith.constant 0 : i32
      %dma_wait3A_222 = tpu.memref_slice %arg15[%dma_wait3A_221] : memref<48xi32, #tpu.memory_space<vmem>> -> memref<40xi32, #tpu.memory_space<vmem>>
      %dma_wait3A_223 = arith.constant 0 : i32
      %dma_wait3A_224 = arith.constant 0 : i32
      %dma_wait3A_225 = tpu.memref_slice %arg3[%dma_wait3A_223, %dma_wait3A_224] : memref<10000x128xf32, #tpu.memory_space<hbm>> -> memref<10000x128xf32, #tpu.memory_space<hbm>>
      tpu.wait_indirect_dma semaphore(%arg24 : memref<!tpu.dma_semaphore, #tpu.memory_space<semaphore_mem>>) src(%dma_wait3A_225 : memref<10000x128xf32, #tpu.memory_space<hbm>>) dst(%arg17 : memref<40x128xf32, #tpu.memory_space<vmem>>)
      %dma_wait3A_226 = arith.constant 0 : i32
      %dma_wait3A_227 = tpu.memref_slice %arg4[%add3A_215, %dma_wait3A_226] : memref<320000x128xf32, #tpu.memory_space<hbm>> -> memref<40x128xf32, #tpu.memory_space<hbm>>
      %dma_wait3A_228 = arith.constant 0 : i32
      %dma_wait3A_229 = tpu.memref_slice %arg4[%add3A_215, %dma_wait3A_228] : memref<320000x128xf32, #tpu.memory_space<hbm>> -> memref<40x128xf32, #tpu.memory_space<hbm>>
      tpu.wait_dma2 semaphore(%arg24 : memref<!tpu.dma_semaphore, #tpu.memory_space<semaphore_mem>>) src(%dma_wait3A_229 : memref<40x128xf32, #tpu.memory_space<hbm>>) dst(%arg18 : memref<40x128xf32, #tpu.memory_space<vmem>>)
      %add3A_230 = arith.constant 1 : i32
      %add3A_231 = arith.addi %add3A_212, %add3A_230 : i32
      %lt3A_232 = arith.constant 250 : i32
      %lt3A_233 = arith.cmpi slt, %add3A_231, %lt3A_232 : i32
      %convert_element_type3A_234 = arith.extui %lt3A_233 : i1 to i32
      %cond3A_235 = arith.constant 0 : i32
      %cond3A_236 = arith.cmpi ne, %convert_element_type3A_234, %cond3A_235 : i32
      scf.if %cond3A_236 {
        %add3A_256 = arith.constant 1 : i32
        %add3A_257 = arith.addi %add3A_212, %add3A_256 : i32
        %mul3A_258 = arith.constant 40 : i32
        %mul3A_259 = arith.muli %add3A_257, %mul3A_258 : i32
        %add3A_260 = arith.addi %mul3A_2, %mul3A_259 : i32
        %dma_wait3A_261 = arith.constant 0 : i32
        %dma_wait3A_262 = tpu.memref_slice %arg9[%dma_wait3A_261] : memref<48xi32, #tpu.memory_space<vmem>> -> memref<40xi32, #tpu.memory_space<vmem>>
        %dma_wait3A_263 = tpu.memref_slice %arg5[%add3A_260] : memref<320000xi32, #tpu.memory_space<hbm>> -> memref<40xi32, #tpu.memory_space<hbm>>
        %dma_wait3A_264 = arith.constant 0 : i32
        %dma_wait3A_265 = tpu.memref_slice %arg9[%dma_wait3A_264] : memref<48xi32, #tpu.memory_space<vmem>> -> memref<40xi32, #tpu.memory_space<vmem>>
        %dma_wait3A_266 = tpu.memref_slice %arg5[%add3A_260] : memref<320000xi32, #tpu.memory_space<hbm>> -> memref<40xi32, #tpu.memory_space<hbm>>
        tpu.wait_dma2 semaphore(%arg21 : memref<!tpu.dma_semaphore, #tpu.memory_space<semaphore_mem>>) src(%dma_wait3A_266 : memref<40xi32, #tpu.memory_space<hbm>>) dst(%dma_wait3A_265 : memref<40xi32, #tpu.memory_space<vmem>>)
        %dma_wait3A_267 = arith.constant 0 : i32
        %dma_wait3A_268 = tpu.memref_slice %arg10[%dma_wait3A_267] : memref<48xi32, #tpu.memory_space<vmem>> -> memref<40xi32, #tpu.memory_space<vmem>>
        %dma_wait3A_269 = tpu.memref_slice %arg6[%add3A_260] : memref<320000xi32, #tpu.memory_space<hbm>> -> memref<40xi32, #tpu.memory_space<hbm>>
        %dma_wait3A_270 = arith.constant 0 : i32
        %dma_wait3A_271 = tpu.memref_slice %arg10[%dma_wait3A_270] : memref<48xi32, #tpu.memory_space<vmem>> -> memref<40xi32, #tpu.memory_space<vmem>>
        %dma_wait3A_272 = tpu.memref_slice %arg6[%add3A_260] : memref<320000xi32, #tpu.memory_space<hbm>> -> memref<40xi32, #tpu.memory_space<hbm>>
        tpu.wait_dma2 semaphore(%arg21 : memref<!tpu.dma_semaphore, #tpu.memory_space<semaphore_mem>>) src(%dma_wait3A_272 : memref<40xi32, #tpu.memory_space<hbm>>) dst(%dma_wait3A_271 : memref<40xi32, #tpu.memory_space<vmem>>)
        %add3A_273 = arith.constant 1 : i32
        %add3A_274 = arith.addi %add3A_212, %add3A_273 : i32
        %mul3A_275 = arith.constant 40 : i32
        %mul3A_276 = arith.muli %add3A_274, %mul3A_275 : i32
        %add3A_277 = arith.addi %mul3A_2, %mul3A_276 : i32
        %dma_start3A_278 = arith.constant 0 : i32
        %dma_start3A_279 = tpu.memref_slice %arg9[%dma_start3A_278] : memref<48xi32, #tpu.memory_space<vmem>> -> memref<40xi32, #tpu.memory_space<vmem>>
        %dma_start3A_280 = arith.constant 0 : i32
        %dma_start3A_281 = arith.constant 0 : i32
        %dma_start3A_282 = tpu.memref_slice %arg2[%dma_start3A_280, %dma_start3A_281] : memref<10000x128xf32, #tpu.memory_space<hbm>> -> memref<10000x128xf32, #tpu.memory_space<hbm>>
        tpu.enqueue_indirect_dma source(%dma_start3A_282 : memref<10000x128xf32, #tpu.memory_space<hbm>>) target(%arg11 : memref<40x128xf32, #tpu.memory_space<vmem>>) offsets(%dma_start3A_279 : memref<40xi32, #tpu.memory_space<vmem>>) semaphore(%arg23 : memref<!tpu.dma_semaphore, #tpu.memory_space<semaphore_mem>>)
        %dma_start3A_283 = arith.constant 0 : i32
        %dma_start3A_284 = tpu.memref_slice %arg10[%dma_start3A_283] : memref<48xi32, #tpu.memory_space<vmem>> -> memref<40xi32, #tpu.memory_space<vmem>>
        %dma_start3A_285 = arith.constant 0 : i32
        %dma_start3A_286 = arith.constant 0 : i32
        %dma_start3A_287 = tpu.memref_slice %arg3[%dma_start3A_285, %dma_start3A_286] : memref<10000x128xf32, #tpu.memory_space<hbm>> -> memref<10000x128xf32, #tpu.memory_space<hbm>>
        tpu.enqueue_indirect_dma source(%dma_start3A_287 : memref<10000x128xf32, #tpu.memory_space<hbm>>) target(%arg12 : memref<40x128xf32, #tpu.memory_space<vmem>>) offsets(%dma_start3A_284 : memref<40xi32, #tpu.memory_space<vmem>>) semaphore(%arg23 : memref<!tpu.dma_semaphore, #tpu.memory_space<semaphore_mem>>)
        %dma_start3A_288 = arith.constant 0 : i32
        %dma_start3A_289 = tpu.memref_slice %arg4[%add3A_277, %dma_start3A_288] : memref<320000x128xf32, #tpu.memory_space<hbm>> -> memref<40x128xf32, #tpu.memory_space<hbm>>
        %dma_start3A_290 = arith.constant 0 : i32
        %dma_start3A_291 = tpu.memref_slice %arg4[%add3A_277, %dma_start3A_290] : memref<320000x128xf32, #tpu.memory_space<hbm>> -> memref<40x128xf32, #tpu.memory_space<hbm>>
        tpu.enqueue_dma source(%dma_start3A_291 : memref<40x128xf32, #tpu.memory_space<hbm>>) target(%arg13 : memref<40x128xf32, #tpu.memory_space<vmem>>) target_semaphore(%arg23 : memref<!tpu.dma_semaphore, #tpu.memory_space<semaphore_mem>>)
      } else {
      }
      %scan3A_237 = arith.constant 0 : i32
      %scan3A_238 = arith.constant 0 : i32
      %scan3A_239 = arith.constant 40 : i32
      %scan3A_240 = arith.addi %scan3A_238, %scan3A_239 : i32
      %scan3A_241 = arith.constant 1 : i32
      scf.for %scan3A_256 = %scan3A_238 to %scan3A_240 step %scan3A_241  : i32 {
        %get3A_257 = arith.index_cast %scan3A_256 : i32 to index
        %get3A_258 = arith.constant 0 : index
        %get3A_259 = tpu.vector_load %arg18[%get3A_257, %get3A_258] {strides = array<i32>} : memref<40x128xf32, #tpu.memory_space<vmem>>, vector<16xf32>,
        %get3A_260 = arith.index_cast %scan3A_256 : i32 to index
        %get3A_261 = arith.constant 0 : index
        %get3A_262 = tpu.vector_load %arg16[%get3A_260, %get3A_261] {strides = array<i32>} : memref<40x128xf32, #tpu.memory_space<vmem>>, vector<16xf32>,
        %add3A_263 = arith.addf %get3A_259, %get3A_262 : vector<16xf32>
        %get3A_264 = arith.index_cast %scan3A_256 : i32 to index
        %get3A_265 = arith.constant 0 : index
        %get3A_266 = tpu.vector_load %arg17[%get3A_264, %get3A_265] {strides = array<i32>} : memref<40x128xf32, #tpu.memory_space<vmem>>, vector<16xf32>,
        %add3A_267 = arith.addf %add3A_263, %get3A_266 : vector<16xf32>
        %max3A = arith.constant 0.000000e+00 : f32
        %max3A_268 = vector.broadcast %max3A : f32 to vector<16xf32>
        %max3A_269 = arith.maximumf %add3A_267, %max3A_268 : vector<16xf32>
        %swap3A = arith.index_cast %scan3A_256 : i32 to index
        %swap3A_270 = arith.constant 0 : index
        %swap3A_271 = tpu.vector_load %arg18[%swap3A, %swap3A_270] {strides = array<i32>} : memref<40x128xf32, #tpu.memory_space<vmem>>, vector<16xf32>,
        tpu.vector_store %arg18[%swap3A, %swap3A_270], %max3A_269 {strides = array<i32>} : memref<40x128xf32, #tpu.memory_space<vmem>>, vector<16xf32>,
        %get3A_272 = arith.index_cast %scan3A_256 : i32 to index
        %get3A_273 = arith.constant 16 : index
        %get3A_274 = tpu.vector_load %arg18[%get3A_272, %get3A_273] {strides = array<i32>} : memref<40x128xf32, #tpu.memory_space<vmem>>, vector<16xf32>,
        %get3A_275 = arith.index_cast %scan3A_256 : i32 to index
        %get3A_276 = arith.constant 16 : index
        %get3A_277 = tpu.vector_load %arg16[%get3A_275, %get3A_276] {strides = array<i32>} : memref<40x128xf32, #tpu.memory_space<vmem>>, vector<16xf32>,
        %add3A_278 = arith.addf %get3A_274, %get3A_277 : vector<16xf32>
        %get3A_279 = arith.index_cast %scan3A_256 : i32 to index
        %get3A_280 = arith.constant 16 : index
        %get3A_281 = tpu.vector_load %arg17[%get3A_279, %get3A_280] {strides = array<i32>} : memref<40x128xf32, #tpu.memory_space<vmem>>, vector<16xf32>,
        %add3A_282 = arith.addf %add3A_278, %get3A_281 : vector<16xf32>
        %max3A_283 = arith.constant 0.000000e+00 : f32
        %max3A_284 = vector.broadcast %max3A_283 : f32 to vector<16xf32>
        %max3A_285 = arith.maximumf %add3A_282, %max3A_284 : vector<16xf32>
        %swap3A_286 = arith.index_cast %scan3A_256 : i32 to index
        %swap3A_287 = arith.constant 16 : index
        %swap3A_288 = tpu.vector_load %arg18[%swap3A_286, %swap3A_287] {strides = array<i32>} : memref<40x128xf32, #tpu.memory_space<vmem>>, vector<16xf32>,
        tpu.vector_store %arg18[%swap3A_286, %swap3A_287], %max3A_285 {strides = array<i32>} : memref<40x128xf32, #tpu.memory_space<vmem>>, vector<16xf32>,
        %get3A_289 = arith.index_cast %scan3A_256 : i32 to index
        %get3A_290 = arith.constant 32 : index
        %get3A_291 = tpu.vector_load %arg18[%get3A_289, %get3A_290] {strides = array<i32>} : memref<40x128xf32, #tpu.memory_space<vmem>>, vector<16xf32>,
        %get3A_292 = arith.index_cast %scan3A_256 : i32 to index
        %get3A_293 = arith.constant 32 : index
        %get3A_294 = tpu.vector_load %arg16[%get3A_292, %get3A_293] {strides = array<i32>} : memref<40x128xf32, #tpu.memory_space<vmem>>, vector<16xf32>,
        %add3A_295 = arith.addf %get3A_291, %get3A_294 : vector<16xf32>
        %get3A_296 = arith.index_cast %scan3A_256 : i32 to index
        %get3A_297 = arith.constant 32 : index
        %get3A_298 = tpu.vector_load %arg17[%get3A_296, %get3A_297] {strides = array<i32>} : memref<40x128xf32, #tpu.memory_space<vmem>>, vector<16xf32>,
        %add3A_299 = arith.addf %add3A_295, %get3A_298 : vector<16xf32>
        %max3A_300 = arith.constant 0.000000e+00 : f32
        %max3A_301 = vector.broadcast %max3A_300 : f32 to vector<16xf32>
        %max3A_302 = arith.maximumf %add3A_299, %max3A_301 : vector<16xf32>
        %swap3A_303 = arith.index_cast %scan3A_256 : i32 to index
        %swap3A_304 = arith.constant 32 : index
        %swap3A_305 = tpu.vector_load %arg18[%swap3A_303, %swap3A_304] {strides = array<i32>} : memref<40x128xf32, #tpu.memory_space<vmem>>, vector<16xf32>,
        tpu.vector_store %arg18[%swap3A_303, %swap3A_304], %max3A_302 {strides = array<i32>} : memref<40x128xf32, #tpu.memory_space<vmem>>, vector<16xf32>,
        %get3A_306 = arith.index_cast %scan3A_256 : i32 to index
        %get3A_307 = arith.constant 48 : index
        %get3A_308 = tpu.vector_load %arg18[%get3A_306, %get3A_307] {strides = array<i32>} : memref<40x128xf32, #tpu.memory_space<vmem>>, vector<16xf32>,
        %get3A_309 = arith.index_cast %scan3A_256 : i32 to index
        %get3A_310 = arith.constant 48 : index
        %get3A_311 = tpu.vector_load %arg16[%get3A_309, %get3A_310] {strides = array<i32>} : memref<40x128xf32, #tpu.memory_space<vmem>>, vector<16xf32>,
        %add3A_312 = arith.addf %get3A_308, %get3A_311 : vector<16xf32>
        %get3A_313 = arith.index_cast %scan3A_256 : i32 to index
        %get3A_314 = arith.constant 48 : index
        %get3A_315 = tpu.vector_load %arg17[%get3A_313, %get3A_314] {strides = array<i32>} : memref<40x128xf32, #tpu.memory_space<vmem>>, vector<16xf32>,
        %add3A_316 = arith.addf %add3A_312, %get3A_315 : vector<16xf32>
        %max3A_317 = arith.constant 0.000000e+00 : f32
        %max3A_318 = vector.broadcast %max3A_317 : f32 to vector<16xf32>
        %max3A_319 = arith.maximumf %add3A_316, %max3A_318 : vector<16xf32>
        %swap3A_320 = arith.index_cast %scan3A_256 : i32 to index
        %swap3A_321 = arith.constant 48 : index
        %swap3A_322 = tpu.vector_load %arg18[%swap3A_320, %swap3A_321] {strides = array<i32>} : memref<40x128xf32, #tpu.memory_space<vmem>>, vector<16xf32>,
        tpu.vector_store %arg18[%swap3A_320, %swap3A_321], %max3A_319 {strides = array<i32>} : memref<40x128xf32, #tpu.memory_space<vmem>>, vector<16xf32>,
        %get3A_323 = arith.index_cast %scan3A_256 : i32 to index
        %get3A_324 = arith.constant 64 : index
        %get3A_325 = tpu.vector_load %arg18[%get3A_323, %get3A_324] {strides = array<i32>} : memref<40x128xf32, #tpu.memory_space<vmem>>, vector<16xf32>,
        %get3A_326 = arith.index_cast %scan3A_256 : i32 to index
        %get3A_327 = arith.constant 64 : index
        %get3A_328 = tpu.vector_load %arg16[%get3A_326, %get3A_327] {strides = array<i32>} : memref<40x128xf32, #tpu.memory_space<vmem>>, vector<16xf32>,
        %add3A_329 = arith.addf %get3A_325, %get3A_328 : vector<16xf32>
        %get3A_330 = arith.index_cast %scan3A_256 : i32 to index
        %get3A_331 = arith.constant 64 : index
        %get3A_332 = tpu.vector_load %arg17[%get3A_330, %get3A_331] {strides = array<i32>} : memref<40x128xf32, #tpu.memory_space<vmem>>, vector<16xf32>,
        %add3A_333 = arith.addf %add3A_329, %get3A_332 : vector<16xf32>
        %max3A_334 = arith.constant 0.000000e+00 : f32
        %max3A_335 = vector.broadcast %max3A_334 : f32 to vector<16xf32>
        %max3A_336 = arith.maximumf %add3A_333, %max3A_335 : vector<16xf32>
        %swap3A_337 = arith.index_cast %scan3A_256 : i32 to index
        %swap3A_338 = arith.constant 64 : index
        %swap3A_339 = tpu.vector_load %arg18[%swap3A_337, %swap3A_338] {strides = array<i32>} : memref<40x128xf32, #tpu.memory_space<vmem>>, vector<16xf32>,
        tpu.vector_store %arg18[%swap3A_337, %swap3A_338], %max3A_336 {strides = array<i32>} : memref<40x128xf32, #tpu.memory_space<vmem>>, vector<16xf32>,
        %get3A_340 = arith.index_cast %scan3A_256 : i32 to index
        %get3A_341 = arith.constant 80 : index
        %get3A_342 = tpu.vector_load %arg18[%get3A_340, %get3A_341] {strides = array<i32>} : memref<40x128xf32, #tpu.memory_space<vmem>>, vector<16xf32>,
        %get3A_343 = arith.index_cast %scan3A_256 : i32 to index
        %get3A_344 = arith.constant 80 : index
        %get3A_345 = tpu.vector_load %arg16[%get3A_343, %get3A_344] {strides = array<i32>} : memref<40x128xf32, #tpu.memory_space<vmem>>, vector<16xf32>,
        %add3A_346 = arith.addf %get3A_342, %get3A_345 : vector<16xf32>
        %get3A_347 = arith.index_cast %scan3A_256 : i32 to index
        %get3A_348 = arith.constant 80 : index
        %get3A_349 = tpu.vector_load %arg17[%get3A_347, %get3A_348] {strides = array<i32>} : memref<40x128xf32, #tpu.memory_space<vmem>>, vector<16xf32>,
        %add3A_350 = arith.addf %add3A_346, %get3A_349 : vector<16xf32>
        %max3A_351 = arith.constant 0.000000e+00 : f32
        %max3A_352 = vector.broadcast %max3A_351 : f32 to vector<16xf32>
        %max3A_353 = arith.maximumf %add3A_350, %max3A_352 : vector<16xf32>
        %swap3A_354 = arith.index_cast %scan3A_256 : i32 to index
        %swap3A_355 = arith.constant 80 : index
        %swap3A_356 = tpu.vector_load %arg18[%swap3A_354, %swap3A_355] {strides = array<i32>} : memref<40x128xf32, #tpu.memory_space<vmem>>, vector<16xf32>,
        tpu.vector_store %arg18[%swap3A_354, %swap3A_355], %max3A_353 {strides = array<i32>} : memref<40x128xf32, #tpu.memory_space<vmem>>, vector<16xf32>,
        %get3A_357 = arith.index_cast %scan3A_256 : i32 to index
        %get3A_358 = arith.constant 96 : index
        %get3A_359 = tpu.vector_load %arg18[%get3A_357, %get3A_358] {strides = array<i32>} : memref<40x128xf32, #tpu.memory_space<vmem>>, vector<16xf32>,
        %get3A_360 = arith.index_cast %scan3A_256 : i32 to index
        %get3A_361 = arith.constant 96 : index
        %get3A_362 = tpu.vector_load %arg16[%get3A_360, %get3A_361] {strides = array<i32>} : memref<40x128xf32, #tpu.memory_space<vmem>>, vector<16xf32>,
        %add3A_363 = arith.addf %get3A_359, %get3A_362 : vector<16xf32>
        %get3A_364 = arith.index_cast %scan3A_256 : i32 to index
        %get3A_365 = arith.constant 96 : index
        %get3A_366 = tpu.vector_load %arg17[%get3A_364, %get3A_365] {strides = array<i32>} : memref<40x128xf32, #tpu.memory_space<vmem>>, vector<16xf32>,
        %add3A_367 = arith.addf %add3A_363, %get3A_366 : vector<16xf32>
        %max3A_368 = arith.constant 0.000000e+00 : f32
        %max3A_369 = vector.broadcast %max3A_368 : f32 to vector<16xf32>
        %max3A_370 = arith.maximumf %add3A_367, %max3A_369 : vector<16xf32>
        %swap3A_371 = arith.index_cast %scan3A_256 : i32 to index
        %swap3A_372 = arith.constant 96 : index
        %swap3A_373 = tpu.vector_load %arg18[%swap3A_371, %swap3A_372] {strides = array<i32>} : memref<40x128xf32, #tpu.memory_space<vmem>>, vector<16xf32>,
        tpu.vector_store %arg18[%swap3A_371, %swap3A_372], %max3A_370 {strides = array<i32>} : memref<40x128xf32, #tpu.memory_space<vmem>>, vector<16xf32>,
        %get3A_374 = arith.index_cast %scan3A_256 : i32 to index
        %get3A_375 = arith.constant 112 : index
        %get3A_376 = tpu.vector_load %arg18[%get3A_374, %get3A_375] {strides = array<i32>} : memref<40x128xf32, #tpu.memory_space<vmem>>, vector<16xf32>,
        %get3A_377 = arith.index_cast %scan3A_256 : i32 to index
        %get3A_378 = arith.constant 112 : index
        %get3A_379 = tpu.vector_load %arg16[%get3A_377, %get3A_378] {strides = array<i32>} : memref<40x128xf32, #tpu.memory_space<vmem>>, vector<16xf32>,
        %add3A_380 = arith.addf %get3A_376, %get3A_379 : vector<16xf32>
        %get3A_381 = arith.index_cast %scan3A_256 : i32 to index
        %get3A_382 = arith.constant 112 : index
        %get3A_383 = tpu.vector_load %arg17[%get3A_381, %get3A_382] {strides = array<i32>} : memref<40x128xf32, #tpu.memory_space<vmem>>, vector<16xf32>,
        %add3A_384 = arith.addf %add3A_380, %get3A_383 : vector<16xf32>
        %max3A_385 = arith.constant 0.000000e+00 : f32
        %max3A_386 = vector.broadcast %max3A_385 : f32 to vector<16xf32>
        %max3A_387 = arith.maximumf %add3A_384, %max3A_386 : vector<16xf32>
        %swap3A_388 = arith.index_cast %scan3A_256 : i32 to index
        %swap3A_389 = arith.constant 112 : index
        %swap3A_390 = tpu.vector_load %arg18[%swap3A_388, %swap3A_389] {strides = array<i32>} : memref<40x128xf32, #tpu.memory_space<vmem>>, vector<16xf32>,
        tpu.vector_store %arg18[%swap3A_388, %swap3A_389], %max3A_387 {strides = array<i32>} : memref<40x128xf32, #tpu.memory_space<vmem>>, vector<16xf32>,
      }
      %scan3A_242 = arith.constant 40 : i32
      %get3A_243 = arith.constant 0 : index
      %get3A_244 = tpu.vector_load %arg14[%get3A_243] {strides = array<i32>} : memref<48xi32, #tpu.memory_space<vmem>>, vector<16xi32>,
      tpu.vector_store_idx %arg19[%get3A_244], %broadcast_in_dim3A_5 {add = true} : memref<10240xf32, #tpu.memory_space<vmem>>[vector<16xi32>], vector<16xf32>,
      %get3A_245 = arith.constant 16 : index
      %get3A_246 = tpu.vector_load %arg14[%get3A_245] {strides = array<i32>} : memref<48xi32, #tpu.memory_space<vmem>>, vector<16xi32>,
      tpu.vector_store_idx %arg19[%get3A_246], %broadcast_in_dim3A_5 {add = true} : memref<10240xf32, #tpu.memory_space<vmem>>[vector<16xi32>], vector<16xf32>,
      %get3A_247 = arith.constant 32 : index
      %get3A_248 = tpu.vector_load %arg14[%get3A_247] {strides = array<i32>} : memref<48xi32, #tpu.memory_space<vmem>>, vector<16xi32>,
      tpu.vector_store_idx %arg19[%get3A_248], %broadcast_in_dim3A_5 masked %lt3A_7 {add = true} : memref<10240xf32, #tpu.memory_space<vmem>>[vector<16xi32>], vector<16xf32>, vector<16xi1>
      "tpu.region"() ({
        %run_scoped3A = tpu.sem_alloc : memref<!tpu.dma_semaphore, #tpu.memory_space<semaphore_mem>>
        %dma_start3A_256 = arith.constant 0 : i32
        %dma_start3A_257 = tpu.memref_slice %arg14[%dma_start3A_256] : memref<48xi32, #tpu.memory_space<vmem>> -> memref<40xi32, #tpu.memory_space<vmem>>
        %dma_start3A_258 = arith.constant 0 : i32
        %dma_start3A_259 = arith.constant 0 : i32
        %dma_start3A_260 = tpu.memref_slice %arg20[%dma_start3A_258, %dma_start3A_259] : memref<10240x128xf32, #tpu.memory_space<vmem_shared>> -> memref<10240x128xf32, #tpu.memory_space<vmem_shared>>
        tpu.enqueue_indirect_dma source(%arg18 : memref<40x128xf32, #tpu.memory_space<vmem>>) target(%dma_start3A_260 : memref<10240x128xf32, #tpu.memory_space<vmem_shared>>) offsets(%dma_start3A_257 : memref<40xi32, #tpu.memory_space<vmem>>) semaphore(%run_scoped3A : memref<!tpu.dma_semaphore, #tpu.memory_space<semaphore_mem>>) {add = true}
        %dma_wait3A_261 = arith.constant 0 : i32
        %dma_wait3A_262 = tpu.memref_slice %arg14[%dma_wait3A_261] : memref<48xi32, #tpu.memory_space<vmem>> -> memref<40xi32, #tpu.memory_space<vmem>>
        %dma_wait3A_263 = arith.constant 0 : i32
        %dma_wait3A_264 = arith.constant 0 : i32
        %dma_wait3A_265 = tpu.memref_slice %arg20[%dma_wait3A_263, %dma_wait3A_264] : memref<10240x128xf32, #tpu.memory_space<vmem_shared>> -> memref<10240x128xf32, #tpu.memory_space<vmem_shared>>
        tpu.wait_indirect_dma semaphore(%run_scoped3A : memref<!tpu.dma_semaphore, #tpu.memory_space<semaphore_mem>>) src(%arg18 : memref<40x128xf32, #tpu.memory_space<vmem>>) dst(%dma_wait3A_265 : memref<10240x128xf32, #tpu.memory_space<vmem_shared>>)
        tpu.yield
      }) : () -> ()
      %add3A_249 = arith.constant 2 : i32
      %add3A_250 = arith.addi %add3A_212, %add3A_249 : i32
      %lt3A_251 = arith.constant 250 : i32
      %lt3A_252 = arith.cmpi slt, %add3A_250, %lt3A_251 : i32
      %convert_element_type3A_253 = arith.extui %lt3A_252 : i1 to i32
      %cond3A_254 = arith.constant 0 : i32
      %cond3A_255 = arith.cmpi ne, %convert_element_type3A_253, %cond3A_254 : i32
      scf.if %cond3A_255 {
        %add3A_256 = arith.constant 2 : i32
        %add3A_257 = arith.addi %add3A_212, %add3A_256 : i32
        %mul3A_258 = arith.constant 40 : i32
        %mul3A_259 = arith.muli %add3A_257, %mul3A_258 : i32
        %add3A_260 = arith.addi %mul3A_2, %mul3A_259 : i32
        %dma_start3A_261 = arith.constant 0 : i32
        %dma_start3A_262 = tpu.memref_slice %arg14[%dma_start3A_261] : memref<48xi32, #tpu.memory_space<vmem>> -> memref<40xi32, #tpu.memory_space<vmem>>
        %dma_start3A_263 = tpu.memref_slice %arg5[%add3A_260] : memref<320000xi32, #tpu.memory_space<hbm>> -> memref<40xi32, #tpu.memory_space<hbm>>
        %dma_start3A_264 = arith.constant 0 : i32
        %dma_start3A_265 = tpu.memref_slice %arg14[%dma_start3A_264] : memref<48xi32, #tpu.memory_space<vmem>> -> memref<40xi32, #tpu.memory_space<vmem>>
        %dma_start3A_266 = tpu.memref_slice %arg5[%add3A_260] : memref<320000xi32, #tpu.memory_space<hbm>> -> memref<40xi32, #tpu.memory_space<hbm>>
        tpu.enqueue_dma source(%dma_start3A_266 : memref<40xi32, #tpu.memory_space<hbm>>) target(%dma_start3A_265 : memref<40xi32, #tpu.memory_space<vmem>>) target_semaphore(%arg22 : memref<!tpu.dma_semaphore, #tpu.memory_space<semaphore_mem>>)
        %dma_start3A_267 = arith.constant 0 : i32
        %dma_start3A_268 = tpu.memref_slice %arg15[%dma_start3A_267] : memref<48xi32, #tpu.memory_space<vmem>> -> memref<40xi32, #tpu.memory_space<vmem>>
        %dma_start3A_269 = tpu.memref_slice %arg6[%add3A_260] : memref<320000xi32, #tpu.memory_space<hbm>> -> memref<40xi32, #tpu.memory_space<hbm>>
        %dma_start3A_270 = arith.constant 0 : i32
        %dma_start3A_271 = tpu.memref_slice %arg15[%dma_start3A_270] : memref<48xi32, #tpu.memory_space<vmem>> -> memref<40xi32, #tpu.memory_space<vmem>>
        %dma_start3A_272 = tpu.memref_slice %arg6[%add3A_260] : memref<320000xi32, #tpu.memory_space<hbm>> -> memref<40xi32, #tpu.memory_space<hbm>>
        tpu.enqueue_dma source(%dma_start3A_272 : memref<40xi32, #tpu.memory_space<hbm>>) target(%dma_start3A_271 : memref<40xi32, #tpu.memory_space<vmem>>) target_semaphore(%arg22 : memref<!tpu.dma_semaphore, #tpu.memory_space<semaphore_mem>>)
      } else {
      }
    }
    %scan3A_159 = arith.constant 125 : i32
    "tpu.region"() ({
      %run_scoped3A = tpu.sem_alloc : memref<!tpu.dma_semaphore, #tpu.memory_space<semaphore_mem>>
      %dma_start3A_164 = arith.constant 0 : i32
      %dma_start3A_165 = tpu.memref_slice %arg8[%add3A, %dma_start3A_164] : memref<32x10240xf32, #tpu.memory_space<hbm>> -> memref<1x10240xf32, #tpu.memory_space<hbm>>
      %dma_start3A_166 = tpu.memref_squeeze %dma_start3A_165 : memref<1x10240xf32, #tpu.memory_space<hbm>> -> memref<10240xf32, #tpu.memory_space<hbm>>
      %dma_start3A_167 = arith.constant 0 : i32
      %dma_start3A_168 = tpu.memref_slice %arg8[%add3A, %dma_start3A_167] : memref<32x10240xf32, #tpu.memory_space<hbm>> -> memref<1x10240xf32, #tpu.memory_space<hbm>>
      %dma_start3A_169 = tpu.memref_squeeze %dma_start3A_168 : memref<1x10240xf32, #tpu.memory_space<hbm>> -> memref<10240xf32, #tpu.memory_space<hbm>>
      tpu.enqueue_dma source(%arg19 : memref<10240xf32, #tpu.memory_space<vmem>>) target(%dma_start3A_169 : memref<10240xf32, #tpu.memory_space<hbm>>) target_semaphore(%run_scoped3A : memref<!tpu.dma_semaphore, #tpu.memory_space<semaphore_mem>>)
      %dma_wait3A_170 = arith.constant 0 : i32
      %dma_wait3A_171 = tpu.memref_slice %arg8[%add3A, %dma_wait3A_170] : memref<32x10240xf32, #tpu.memory_space<hbm>> -> memref<1x10240xf32, #tpu.memory_space<hbm>>
      %dma_wait3A_172 = tpu.memref_squeeze %dma_wait3A_171 : memref<1x10240xf32, #tpu.memory_space<hbm>> -> memref<10240xf32, #tpu.memory_space<hbm>>
      %dma_wait3A_173 = arith.constant 0 : i32
      %dma_wait3A_174 = tpu.memref_slice %arg8[%add3A, %dma_wait3A_173] : memref<32x10240xf32, #tpu.memory_space<hbm>> -> memref<1x10240xf32, #tpu.memory_space<hbm>>
      %dma_wait3A_175 = tpu.memref_squeeze %dma_wait3A_174 : memref<1x10240xf32, #tpu.memory_space<hbm>> -> memref<10240xf32, #tpu.memory_space<hbm>>
      tpu.wait_dma2 semaphore(%run_scoped3A : memref<!tpu.dma_semaphore, #tpu.memory_space<semaphore_mem>>) src(%arg19 : memref<10240xf32, #tpu.memory_space<vmem>>) dst(%dma_wait3A_175 : memref<10240xf32, #tpu.memory_space<hbm>>)
      tpu.yield
    }) : () -> ()
    %barrier3A_160 = arith.constant 0 : index
    tpu.barrier barrier_id(%barrier3A_160)
    %mul3A_161 = arith.constant 640 : i32
    %mul3A_162 = arith.muli %arg1, %mul3A_161 : i32
    %multiple_of3A_163 = tpu.assume_multiple %mul3A_162, 8 : i32
    "tpu.region"() ({
      %run_scoped3A = tpu.sem_alloc : memref<!tpu.dma_semaphore, #tpu.memory_space<semaphore_mem>>
      %dma_start3A_164 = arith.constant 0 : i32
      %dma_start3A_165 = tpu.memref_slice %arg7[%arg0, %multiple_of3A_163, %dma_start3A_164] : memref<2x10240x128xf32, #tpu.memory_space<hbm>> -> memref<1x640x128xf32, #tpu.memory_space<hbm>>
      %dma_start3A_166 = tpu.memref_squeeze %dma_start3A_165 : memref<1x640x128xf32, #tpu.memory_space<hbm>> -> memref<640x128xf32, #tpu.memory_space<hbm>>
      %dma_start3A_167 = arith.constant 0 : i32
      %dma_start3A_168 = tpu.memref_slice %arg20[%multiple_of3A_163, %dma_start3A_167] : memref<10240x128xf32, #tpu.memory_space<vmem_shared>> -> memref<640x128xf32, #tpu.memory_space<vmem_shared>>
      tpu.enqueue_dma source(%dma_start3A_168 : memref<640x128xf32, #tpu.memory_space<vmem_shared>>) target(%dma_start3A_166 : memref<640x128xf32, #tpu.memory_space<hbm>>) target_semaphore(%run_scoped3A : memref<!tpu.dma_semaphore, #tpu.memory_space<semaphore_mem>>)
      %dma_wait3A_169 = arith.constant 0 : i32
      %dma_wait3A_170 = tpu.memref_slice %arg7[%arg0, %multiple_of3A_163, %dma_wait3A_169] : memref<2x10240x128xf32, #tpu.memory_space<hbm>> -> memref<1x640x128xf32, #tpu.memory_space<hbm>>
      %dma_wait3A_171 = tpu.memref_squeeze %dma_wait3A_170 : memref<1x640x128xf32, #tpu.memory_space<hbm>> -> memref<640x128xf32, #tpu.memory_space<hbm>>
      %dma_wait3A_172 = arith.constant 0 : i32
      %dma_wait3A_173 = tpu.memref_slice %arg20[%multiple_of3A_163, %dma_wait3A_172] : memref<10240x128xf32, #tpu.memory_space<vmem_shared>> -> memref<640x128xf32, #tpu.memory_space<vmem_shared>>
      tpu.wait_dma2 semaphore(%run_scoped3A : memref<!tpu.dma_semaphore, #tpu.memory_space<semaphore_mem>>) src(%dma_wait3A_173 : memref<640x128xf32, #tpu.memory_space<vmem_shared>>) dst(%dma_wait3A_171 : memref<640x128xf32, #tpu.memory_space<hbm>>)
      tpu.yield
    }) : () -> ()
    return
  }
}

module attributes {stable_mosaic.version = 14 : i64} {
  func.func @_ea_body(%arg0: i32, %arg1: memref<8000x16xf32, #tpu.memory_space<vmem>>, %arg2: memref<16x128xf32, #tpu.memory_space<vmem>>, %arg3: memref<128xf32, #tpu.memory_space<vmem>>, %arg4: memref<8000x128xf32, #tpu.memory_space<vmem>>) attributes {dimension_semantics = [#tpu.dimension_semantics<arbitrary>], iteration_bounds = array<i64: 40>, scalar_prefetch = 0 : i64, scratch_operands = 0 : i64, tpu.core_type = #tpu.core_type<tc>, window_params = [{transform_indices = @transform_0, window_bounds = array<i64: 8000, 16>}, {pipeline_mode = #tpu.pipeline_mode<synchronous>, transform_indices = @transform_1, window_bounds = array<i64: 16, 128>}, {pipeline_mode = #tpu.pipeline_mode<synchronous>, transform_indices = @transform_2, window_bounds = array<i64: 128>}, {transform_indices = @transform_3, window_bounds = array<i64: 8000, 128>}]} {
    %get3A = arith.constant 0 : index
    %get3A_0 = arith.constant 0 : index
    %get3A_1 = vector.load %arg1[%get3A, %get3A_0] : memref<8000x16xf32, #tpu.memory_space<vmem>>, vector<8000x16xf32>
    %get3A_2 = arith.constant 0 : index
    %get3A_3 = arith.constant 0 : index
    %get3A_4 = vector.load %arg2[%get3A_2, %get3A_3] : memref<16x128xf32, #tpu.memory_space<vmem>>, vector<16x128xf32>
    %dot_general3A = arith.constant dense<0.000000e+00> : vector<8000x128xf32>
    %dot_general3A_5 = tpu.matmul %get3A_1, %get3A_4, %dot_general3A {dimension_numbers = #tpu.dot_dimension_numbers<[1], [0], [0], [1], [0, 0, 1, 1], [], []>, transpose_lhs_hint = false} : vector<8000x16xf32>, vector<16x128xf32>, vector<8000x128xf32> -> vector<8000x128xf32>
    %get3A_6 = arith.constant 0 : index
    %get3A_7 = vector.load %arg3[%get3A_6] : memref<128xf32, #tpu.memory_space<vmem>>, vector<128xf32>
    %broadcast_in_dim3A = vector.shape_cast %get3A_7 : vector<128xf32> to vector<1x128xf32>
    %add3A = vector.broadcast %broadcast_in_dim3A : vector<1x128xf32> to vector<8000x128xf32>
    %add3A_8 = arith.addf %dot_general3A_5, %add3A : vector<8000x128xf32>
    %swap3A = arith.constant 0 : index
    %swap3A_9 = arith.constant 0 : index
    %swap3A_10 = vector.load %arg4[%swap3A, %swap3A_9] : memref<8000x128xf32, #tpu.memory_space<vmem>>, vector<8000x128xf32>
    tpu.vector_store %arg4[%swap3A, %swap3A_9], %add3A_8 {strides = array<i32>} : memref<8000x128xf32, #tpu.memory_space<vmem>>, vector<8000x128xf32>,
    return
  }
  func.func @transform_0(%arg0: i32) -> (i32, i32) {
    %c0_i32 = arith.constant 0 : i32
    %c0_i32_0 = arith.constant 0 : i32
    return %arg0, %c0_i32 : i32, i32
  }
  func.func @transform_1(%arg0: i32) -> (i32, i32) {
    %c0_i32 = arith.constant 0 : i32
    %c0_i32_0 = arith.constant 0 : i32
    %c0_i32_1 = arith.constant 0 : i32
    return %c0_i32, %c0_i32_0 : i32, i32
  }
  func.func @transform_2(%arg0: i32) -> i32 {
    %c0_i32 = arith.constant 0 : i32
    %c0_i32_0 = arith.constant 0 : i32
    return %c0_i32 : i32
  }
  func.func @transform_3(%arg0: i32) -> (i32, i32) {
    %c0_i32 = arith.constant 0 : i32
    %c0_i32_0 = arith.constant 0 : i32
    return %arg0, %c0_i32 : i32, i32
  }
}

module attributes {stable_mosaic.version = 14 : i64} {
  func.func @_pre_body(%arg0: memref<10000x128xf32, #tpu.memory_space<vmem>>, %arg1: memref<128x128xf32, #tpu.memory_space<vmem>>, %arg2: memref<128x128xf32, #tpu.memory_space<vmem>>, %arg3: memref<10000x128xf32, #tpu.memory_space<vmem>>, %arg4: memref<10000x128xf32, #tpu.memory_space<vmem>>) attributes {dimension_semantics = [], scalar_prefetch = 0 : i64, scratch_operands = 0 : i64, tpu.core_type = #tpu.core_type<tc>} {
    %get3A = arith.constant 0 : index
    %get3A_0 = arith.constant 0 : index
    %get3A_1 = vector.load %arg0[%get3A, %get3A_0] : memref<10000x128xf32, #tpu.memory_space<vmem>>, vector<10000x128xf32>
    %get3A_2 = arith.constant 0 : index
    %get3A_3 = arith.constant 0 : index
    %get3A_4 = vector.load %arg1[%get3A_2, %get3A_3] : memref<128x128xf32, #tpu.memory_space<vmem>>, vector<128x128xf32>
    %dot_general3A = arith.constant dense<0.000000e+00> : vector<10000x128xf32>
    %dot_general3A_5 = tpu.matmul %get3A_1, %get3A_4, %dot_general3A {dimension_numbers = #tpu.dot_dimension_numbers<[1], [0], [0], [1], [0, 0, 1, 1], [], []>, transpose_lhs_hint = false} : vector<10000x128xf32>, vector<128x128xf32>, vector<10000x128xf32> -> vector<10000x128xf32>
    %swap3A = arith.constant 0 : index
    %swap3A_6 = arith.constant 0 : index
    %swap3A_7 = vector.load %arg3[%swap3A, %swap3A_6] : memref<10000x128xf32, #tpu.memory_space<vmem>>, vector<10000x128xf32>
    tpu.vector_store %arg3[%swap3A, %swap3A_6], %dot_general3A_5 {strides = array<i32>} : memref<10000x128xf32, #tpu.memory_space<vmem>>, vector<10000x128xf32>,
    %get3A_8 = arith.constant 0 : index
    %get3A_9 = arith.constant 0 : index
    %get3A_10 = vector.load %arg2[%get3A_8, %get3A_9] : memref<128x128xf32, #tpu.memory_space<vmem>>, vector<128x128xf32>
    %dot_general3A_11 = arith.constant dense<0.000000e+00> : vector<10000x128xf32>
    %dot_general3A_12 = tpu.matmul %get3A_1, %get3A_10, %dot_general3A_11 {dimension_numbers = #tpu.dot_dimension_numbers<[1], [0], [0], [1], [0, 0, 1, 1], [], []>, transpose_lhs_hint = false} : vector<10000x128xf32>, vector<128x128xf32>, vector<10000x128xf32> -> vector<10000x128xf32>
    %swap3A_13 = arith.constant 0 : index
    %swap3A_14 = arith.constant 0 : index
    %swap3A_15 = vector.load %arg4[%swap3A_13, %swap3A_14] : memref<10000x128xf32, #tpu.memory_space<vmem>>, vector<10000x128xf32>
    tpu.vector_store %arg4[%swap3A_13, %swap3A_14], %dot_general3A_12 {strides = array<i32>} : memref<10000x128xf32, #tpu.memory_space<vmem>>, vector<10000x128xf32>,
    return
  }
}

module attributes {stable_mosaic.version = 14 : i64} {
  func.func @_node_body(%arg0: memref<2x10240x128xf32, #tpu.memory_space<vmem>>, %arg1: memref<32x10240xf32, #tpu.memory_space<vmem>>, %arg2: memref<10000x128xf32, #tpu.memory_space<vmem>>, %arg3: memref<128x128xf32, #tpu.memory_space<vmem>>, %arg4: memref<128xf32, #tpu.memory_space<vmem>>, %arg5: memref<128x128xf32, #tpu.memory_space<vmem>>, %arg6: memref<128x128xf32, #tpu.memory_space<vmem>>, %arg7: memref<128xf32, #tpu.memory_space<vmem>>, %arg8: memref<128x128xf32, #tpu.memory_space<vmem>>, %arg9: memref<128xf32, #tpu.memory_space<vmem>>, %arg10: memref<10000x128xf32, #tpu.memory_space<vmem>>) attributes {dimension_semantics = [], scalar_prefetch = 0 : i64, scratch_operands = 0 : i64, tpu.core_type = #tpu.core_type<tc>} {
    %get3A = arith.constant 0 : index
    %get3A_0 = arith.constant 0 : index
    %get3A_1 = arith.constant 0 : index
    %get3A_2 = vector.load %arg0[%get3A, %get3A_0, %get3A_1] : memref<2x10240x128xf32, #tpu.memory_space<vmem>>, vector<1x10240x128xf32>
    %get3A_3 = vector.shape_cast %get3A_2 : vector<1x10240x128xf32> to vector<10240x128xf32>
    %get3A_4 = arith.constant 1 : index
    %get3A_5 = arith.constant 0 : index
    %get3A_6 = arith.constant 0 : index
    %get3A_7 = vector.load %arg0[%get3A_4, %get3A_5, %get3A_6] : memref<2x10240x128xf32, #tpu.memory_space<vmem>>, vector<1x10240x128xf32>
    %get3A_8 = vector.shape_cast %get3A_7 : vector<1x10240x128xf32> to vector<10240x128xf32>
    %add3A = arith.addf %get3A_3, %get3A_8 : vector<10240x128xf32>
    %get3A_9 = arith.constant 0 : index
    %get3A_10 = arith.constant 0 : index
    %get3A_11 = vector.load %arg3[%get3A_9, %get3A_10] : memref<128x128xf32, #tpu.memory_space<vmem>>, vector<128x128xf32>
    %dot_general3A = arith.constant dense<0.000000e+00> : vector<10240x128xf32>
    %dot_general3A_12 = tpu.matmul %add3A, %get3A_11, %dot_general3A {dimension_numbers = #tpu.dot_dimension_numbers<[1], [0], [0], [1], [0, 0, 1, 1], [], []>, transpose_lhs_hint = false} : vector<10240x128xf32>, vector<128x128xf32>, vector<10240x128xf32> -> vector<10240x128xf32>
    %get3A_13 = arith.constant 0 : index
    %get3A_14 = arith.constant 0 : index
    %get3A_15 = vector.load %arg1[%get3A_13, %get3A_14] : memref<32x10240xf32, #tpu.memory_space<vmem>>, vector<32x10240xf32>
    %reduce_sum3A = arith.constant dense<0.000000e+00> : vector<10240xf32>
    %reduce_sum3A_16 = vector.multi_reduction <add>, %get3A_15, %reduce_sum3A [0] : vector<32x10240xf32> to vector<10240xf32>
    %broadcast_in_dim3A = vector.shape_cast %reduce_sum3A_16 : vector<10240xf32> to vector<10240x1xf32>
    %get3A_17 = arith.constant 0 : index
    %get3A_18 = vector.load %arg4[%get3A_17] : memref<128xf32, #tpu.memory_space<vmem>>, vector<128xf32>
    %broadcast_in_dim3A_19 = vector.shape_cast %get3A_18 : vector<128xf32> to vector<1x128xf32>
    %mul3A = vector.broadcast %broadcast_in_dim3A : vector<10240x1xf32> to vector<10240x128xf32>
    %mul3A_20 = vector.broadcast %broadcast_in_dim3A_19 : vector<1x128xf32> to vector<10240x128xf32>
    %mul3A_21 = arith.mulf %mul3A, %mul3A_20 : vector<10240x128xf32>
    %add3A_22 = arith.addf %dot_general3A_12, %mul3A_21 : vector<10240x128xf32>
    %slice3A = vector.extract_strided_slice %add3A_22 {offsets = [0, 0], sizes = [10000, 128], strides = [1, 1]} : vector<10240x128xf32> to vector<10000x128xf32>
    %get3A_23 = arith.constant 0 : index
    %get3A_24 = arith.constant 0 : index
    %get3A_25 = vector.load %arg2[%get3A_23, %get3A_24] : memref<10000x128xf32, #tpu.memory_space<vmem>>, vector<10000x128xf32>
    %get3A_26 = arith.constant 0 : index
    %get3A_27 = arith.constant 0 : index
    %get3A_28 = vector.load %arg5[%get3A_26, %get3A_27] : memref<128x128xf32, #tpu.memory_space<vmem>>, vector<128x128xf32>
    %dot_general3A_29 = arith.constant dense<0.000000e+00> : vector<10000x128xf32>
    %dot_general3A_30 = tpu.matmul %get3A_25, %get3A_28, %dot_general3A_29 {dimension_numbers = #tpu.dot_dimension_numbers<[1], [0], [0], [1], [0, 0, 1, 1], [], []>, transpose_lhs_hint = false} : vector<10000x128xf32>, vector<128x128xf32>, vector<10000x128xf32> -> vector<10000x128xf32>
    %get3A_31 = arith.constant 0 : index
    %get3A_32 = arith.constant 0 : index
    %get3A_33 = vector.load %arg6[%get3A_31, %get3A_32] : memref<128x128xf32, #tpu.memory_space<vmem>>, vector<128x128xf32>
    %dot_general3A_34 = arith.constant dense<0.000000e+00> : vector<10000x128xf32>
    %dot_general3A_35 = tpu.matmul %slice3A, %get3A_33, %dot_general3A_34 {dimension_numbers = #tpu.dot_dimension_numbers<[1], [0], [0], [1], [0, 0, 1, 1], [], []>, transpose_lhs_hint = false} : vector<10000x128xf32>, vector<128x128xf32>, vector<10000x128xf32> -> vector<10000x128xf32>
    %add3A_36 = arith.addf %dot_general3A_30, %dot_general3A_35 : vector<10000x128xf32>
    %get3A_37 = arith.constant 0 : index
    %get3A_38 = vector.load %arg7[%get3A_37] : memref<128xf32, #tpu.memory_space<vmem>>, vector<128xf32>
    %broadcast_in_dim3A_39 = vector.shape_cast %get3A_38 : vector<128xf32> to vector<1x128xf32>
    %add3A_40 = vector.broadcast %broadcast_in_dim3A_39 : vector<1x128xf32> to vector<10000x128xf32>
    %add3A_41 = arith.addf %add3A_36, %add3A_40 : vector<10000x128xf32>
    %max3A = arith.constant 0.000000e+00 : f32
    %max3A_42 = vector.broadcast %max3A : f32 to vector<10000x128xf32>
    %max3A_43 = arith.maximumf %add3A_41, %max3A_42 : vector<10000x128xf32>
    %get3A_44 = arith.constant 0 : index
    %get3A_45 = arith.constant 0 : index
    %get3A_46 = vector.load %arg8[%get3A_44, %get3A_45] : memref<128x128xf32, #tpu.memory_space<vmem>>, vector<128x128xf32>
    %dot_general3A_47 = arith.constant dense<0.000000e+00> : vector<10000x128xf32>
    %dot_general3A_48 = tpu.matmul %max3A_43, %get3A_46, %dot_general3A_47 {dimension_numbers = #tpu.dot_dimension_numbers<[1], [0], [0], [1], [0, 0, 1, 1], [], []>, transpose_lhs_hint = false} : vector<10000x128xf32>, vector<128x128xf32>, vector<10000x128xf32> -> vector<10000x128xf32>
    %get3A_49 = arith.constant 0 : index
    %get3A_50 = vector.load %arg9[%get3A_49] : memref<128xf32, #tpu.memory_space<vmem>>, vector<128xf32>
    %broadcast_in_dim3A_51 = vector.shape_cast %get3A_50 : vector<128xf32> to vector<1x128xf32>
    %add3A_52 = vector.broadcast %broadcast_in_dim3A_51 : vector<1x128xf32> to vector<10000x128xf32>
    %add3A_53 = arith.addf %dot_general3A_48, %add3A_52 : vector<10000x128xf32>
    %swap3A = arith.constant 0 : index
    %swap3A_54 = arith.constant 0 : index
    %swap3A_55 = vector.load %arg10[%swap3A, %swap3A_54] : memref<10000x128xf32, #tpu.memory_space<vmem>>, vector<10000x128xf32>
    tpu.vector_store %arg10[%swap3A, %swap3A_54], %add3A_53 {strides = array<i32>} : memref<10000x128xf32, #tpu.memory_space<vmem>>, vector<10000x128xf32>,
    return
  }
}

</mosaic_0001>

<sc_bundles>
// kernel: kernel.6.cloned.1.call-start
scs
__scs_entry_jumppad:
0x0: {  	(pc) =	sbr.rel $0x88, $3  }
0x1: {  	(tag) =	ssettag $0x0;
	lr =	simm.s32 $0x1  }
0x2: {  	[smem:$0x3F96] =	sst lr;
	_ =	strace $0xD0000000  }
0x3: {  	_ = 	snop  }
0x4: {  	_ = 	snop  }
0x5: {  	_ = 	snop  }
0x6: {  	_ = 	snop  }
0x7: {  	_ = 	snop  }
__scs_overlays_trampoline_lowered:
0x8: {  	[smem:$0x3FA5] =	sst s0  }
0x9: {  	[smem:$0x3FA6] =	sst s1  }
0xa: {  	[smem:$0x3FA7] =	sst s2  }
0xb: {  	[smem:$0x3FA8] =	sst s3  }
0xc: {  	[smem:$0x3FA9] =	sst s4  }
0xd: {  	[smem:$0x3FAA] =	sst s5  }
0xe: {  	[smem:$0x3FAB] =	sst s6  }
0xf: {  	[smem:$0x3FAC] =	sst s7  }
0x10: {  	[smem:$0x3FAD] =	sst s8  }
0x11: {  	[smem:$0x3FAE] =	sst s9;
	s0 =	simm.s32 @!p0 $0x0  }
0x12: {  	s1 =	sld [smem:$0x3F94];
	s0 =	simm.s32 @p0 $0x1  }
0x13: {  	[smem:$0x3FAF] =	sst s0;
	s0 =	simm.s32 @!p1 $0x0  }
0x14: {  	s2 =	sld [smem:$0x3F93];
	s0 =	simm.s32 @p1 $0x1  }
0x15: {  	[smem:$0x3FB0] =	sst s0;
	s0 =	simm.s32 @!p2 $0x0  }
0x16: {  	s3 =	sld [smem:$0x3FDB];
	s0 =	simm.s32 @p2 $0x1  }
0x17: {  	s4 =	simm.s32 $0x1BF5;
	[smem:$0x3FB2] =	sst s0  }
0x18: {  	s0 =	sld [smem:$0x3F95];
	_ =	swait.ge [sflag:s4], $0x0  }
0x19: {  	s7 =	sld [smem:$0x3F96]  }
0x1a: {  	s8 =	sadd.s32 $0xFFFFE003, lr  }
0x1b: {  	s9 =	sadd.s32 $0xFFFFFEF7, lr;
	s5 =	simm.s32 $0xFFFFFFFF;
	p2 =	slt.u32 s8, $0xFFFFF086  }
0x1c: {  	p1 =	slt.u32 s9, $0xF7A;
	s5 =	simm.s32 @!p2 $0x0  }
0x1d: {  	s5 =	simm.s32 @p1 $0x1;
	p0 =	seq.s32 s7, s2  }
0x1e: {  	s7 =	smul.u32 @!p0 $0xF7A, s2;
	p2 =	seq.s32 @!p0 s5, $0x0  }
0x1f: {  	s9 =	smul.u32 $0xF7A, s1;
	s8 =	simm.s32 @!p0 $0x1BF5;
	p2 =	por !p2, p0  }
0x20: {  	[sflag:s8] =	ssyncset.s32 @!p0 $0xFFFFF086;
	s6 =	sadd.s32 @!p0 s3, s7;
	s7 =	simm.s32 @!p0 $0x108  }
0x21: {  	s3 =	sadd.s32 s3, s9;
	s6 =	sadd.s32 @!p0 $0x88, s6;
	s7 =	simm.s32 @p2 $0x1082  }
0x22: {  	[simem:s7], [sflag:s8] =	dma.local @!p0 [hbm:s6], $0xF7A  }
0x23: {  	s9 =	sor.u32 $0xD0000000, s2;
	s6 =	simm.s32 $0x108;
	_ =	swait.ge @!p0 [sflag:s8], $0x0  }
0x24: {  	s3 =	sadd.s32 $0x88, s3;
	s6 =	simm.s32 @!p1 $0x1082;
	[sflag:s4] =	ssyncset.s32 $0xFFFFF086  }
0x25: {  	[simem:s6], [sflag:s4] =	dma.local [hbm:s3], $0xF7A  }
0x26: {  	[smem:$0x3F96] =	sst s1;
	(tag) =	ssettag s2;
	_ =	strace s9  }
0x27: {  	s1 =	sld [smem:$0x3FA6]  }
0x28: {  	s2 =	sld [smem:$0x3FA7]  }
0x29: {  	s4 =	sld [smem:$0x3FA9]  }
0x2a: {  	p0 =	seq.s32 s5, $0x0;
	s5 =	sld [smem:$0x3FAA]  }
0x2b: {  	s6 =	sld [smem:$0x3FAB]  }
0x2c: {  	s7 =	sld [smem:$0x3FAC]  }
0x2d: {  	s3 =	simm.s32 $0x108;
	s8 =	sld [smem:$0x3FAD]  }
0x2e: {  	s3 =	simm.s32 @!p0 $0x1082;
	s9 =	sld [smem:$0x3FAE]  }
0x2f: {  	lr =	sadd.s32 s0, s3;
	s0 =	sld [smem:$0x3FA5]  }
0x30: {  	s3 =	sld [smem:$0x3FA8]  }
0x31: {  	[smem:$0x3FB1] =	sst s10  }
0x32: {  	s10 =	sld [smem:$0x3FAF];
	_ =	sdelay $0x3  }
0x33: {  	p0 =	seq.s32 s10, $0x1;
	s10 =	sld [smem:$0x3FB1];
	_ =	sdelay $0x3  }
0x34: {  	[smem:$0x3FB1] =	sst s10  }
0x35: {  	s10 =	sld [smem:$0x3FB0];
	_ =	sdelay $0x3  }
0x36: {  	p1 =	seq.s32 s10, $0x1;
	s10 =	sld [smem:$0x3FB1];
	_ =	sdelay $0x3  }
0x37: {  	[smem:$0x3FB1] =	sst s10  }
0x38: {  	s10 =	sld [smem:$0x3FB2]  }
0x39: {  	_ = 	snop;
	(pc) =	sbr.ind lr, $3  }
0x3a: {  	_ = 	snop  }
0x3b: {  	_ = 	snop  }
0x3c: {  	p2 =	seq.s32 s10, $0x1;
	s10 =	sld [smem:$0x3FB1]  }
0x3d: {  	_ =	shalt  }
0x3e: {  	_ =	shalt  }
0x3f: {  	_ =	shalt  }
0x40: {  	_ =	shalt  }
0x41: {  	_ =	shalt  }
0x42: {  	_ =	shalt  }
0x43: {  	_ =	shalt  }
0x44: {  	_ =	shalt  }
0x45: {  	_ =	shalt  }
0x46: {  	_ =	shalt  }
0x47: {  	_ =	shalt  }
0x48: {  	_ =	shalt  }
0x49: {  	_ =	shalt  }
0x4a: {  	_ =	shalt  }
0x4b: {  	_ =	shalt  }
0x4c: {  	_ =	shalt  }
0x4d: {  	_ =	shalt  }
0x4e: {  	_ =	shalt  }
0x4f: {  	_ =	shalt  }
0x50: {  	_ =	shalt  }
0x51: {  	_ =	shalt  }
0x52: {  	_ =	shalt  }
0x53: {  	_ =	shalt  }
0x54: {  	_ =	shalt  }
0x55: {  	_ =	shalt  }
0x56: {  	_ =	shalt  }
0x57: {  	_ =	shalt  }
0x58: {  	_ =	shalt  }
0x59: {  	_ =	shalt  }
0x5a: {  	_ =	shalt  }
0x5b: {  	_ =	shalt  }
0x5c: {  	_ =	shalt  }
0x5d: {  	_ =	shalt  }
0x5e: {  	_ =	shalt  }
0x5f: {  	_ =	shalt  }
0x60: {  	_ =	shalt  }
0x61: {  	_ =	shalt  }
0x62: {  	_ =	shalt  }
0x63: {  	_ =	shalt  }
0x64: {  	_ =	shalt  }
0x65: {  	_ =	shalt  }
0x66: {  	_ =	shalt  }
0x67: {  	_ =	shalt  }
0x68: {  	_ =	shalt  }
0x69: {  	_ =	shalt  }
0x6a: {  	_ =	shalt  }
0x6b: {  	_ =	shalt  }
0x6c: {  	_ =	shalt  }
0x6d: {  	_ =	shalt  }
0x6e: {  	_ =	shalt  }
0x6f: {  	_ =	shalt  }
0x70: {  	_ =	shalt  }
0x71: {  	_ =	shalt  }
0x72: {  	_ =	shalt  }
0x73: {  	_ =	shalt  }
0x74: {  	_ =	shalt  }
0x75: {  	_ =	shalt  }
0x76: {  	_ =	shalt  }
0x77: {  	_ =	shalt  }
0x78: {  	_ =	shalt  }
0x79: {  	_ =	shalt  }
0x7a: {  	_ =	shalt  }
0x7b: {  	_ =	shalt  }
0x7c: {  	_ =	shalt  }
0x7d: {  	_ =	shalt  }
0x7e: {  	_ =	shalt  }
0x7f: {  	_ =	shalt  }
0x80: {  	_ =	shalt  }
0x81: {  	_ =	shalt  }
0x82: {  	_ =	shalt  }
0x83: {  	_ =	shalt  }
0x84: {  	_ =	shalt  }
0x85: {  	_ =	shalt  }
0x86: {  	_ =	shalt  }
0x87: {  	_ =	shalt  }
.Lfunc_end0:
.L_simem_size_0:
called_computation_lowered:
.L_overlay_start_0:
0x88: {  	s2 =	sld [smem:$0x3FD9]  }
0x89: {  	s3 =	sld [smem:$0x3FFE];
	_ =	sdelay $0x1  }
0x8a: {  	s1 =	srdreg.scid  }
0x8b: {  	s0 =	sand.u32 $0x1, s1  }
0x8c: {  	s17 =	sshll.u32 s0, $0xA;
	s2 =	sadd.s32 s3, s2  }
0x8d: {  	s2 =	sadd.s32 s2, s17  }
0x8e: {  	[smem:$0x3FBD] =	sst s2  }
0x8f: {  	_ = 	snop  }
0x90: {  	s2 =	sld [smem:$0x3FD0];
	(tm) =	ssettm $0x1  }
0x91: {  	s18 =	sld [smem:$0x3FFB];
	_ =	sdelay $0x3  }
0x92: {  	_ =	strace s18  }
0x93: {  	s3 =	sld [smem:$0x3FFC];
	_ =	sdelay $0x3  }
0x94: {  	_ =	strace s3  }
0x95: {  	s3 =	sld [smem:$0x3FFD];
	_ =	sdelay $0x3  }
0x96: {  	_ =	strace s3  }
0x97: {  	_ =	strace $0x8FFFFFFF  }
0x98: {  	s19 =	sld [smem:$0x3FDB];
	_ =	sdelay $0x1  }
0x99: {  	s4 =	simm.s32 $_scs_section_size  }
0x9a: {  	s5 =	simm.s32 $_size__tile_overlayer_lowered;
	s6 =	simm.s32 $_tile_overlayer_lowered  }
0x9b: {  	s22 =	simm.s32 $0x1BFF;
	s21 =	sshll.u32 s6, $0x1;
	s3 =	sadd.s32 s4, s19  }
0x9c: {  	s7 =	simm.s32 $0x0;
	s20 =	sshll.u32 s5, $0x1;
	s5 =	sadd.s32 s21, s3  }
0x9d: {  	[timem:s7], [sflag:s22] =	dma.local [hbm:s5], s20  }
0x9e: {  	_ =	swait.ge [sflag:s22], s20  }
0x9f: {  	s4 =	ssub.s32 $0x0, s20;
	[sflag:s22] =	ssyncset.done $0x0  }
0xa0: {  	[sflag:s22] =	ssyncadd.s32 s4;
	_ =	sdelay $0x1  }
0xa1: {  	s23 =	simm.s32 $0x1B8B  }
0xa2: {  	_ =	swait.ge [sflag:s23], $0x1  }
0xa3: {  	[sflag:s23] =	ssyncset.done $0x0  }
0xa4: {  	s25 =	simm.s32 $0x1B8E;
	s24 =	sld [smem:$0x3FFE];
	[sflag:s23] =	ssyncadd.s32 $0xFFFFFFFF  }
0xa5: {  	s26 =	simm.s32 $execute0_lowered;
	[smem:$0x3FD2] =	sst s25  }
0xa6: {  	s5 =	sshll.u32 s26, $0x1;
	_ =	strace $0x80000046;
	[dreg:$0x1] =	wrdreg $0xFFFFFFFF  }
0xa7: {  	s28 =	simm.s32 $_size_execute0_lowered;
	s3 =	sadd.s32 s3, s5;
	[dreg:$0x0] =	wrdreg $0x0  }
0xa8: {  	s5 =	sshll.u32 s28, $0x1;
	[dreg:$0x2] =	wrdreg s3  }
0xa9: {  	[dreg:$0x3] =	wrdreg s5  }
0xaa: {  	[dreg:$0x4] =	wrdreg $0xC0  }
0xab: {  	_ =	task [dreg:s7], $0x5FFFF  }
0xac: {  	[dreg:$0x1] =	wrdreg $0xFFFFFFFF  }
0xad: {  	[dreg:$0x0] =	wrdreg $0x60  }
0xae: {  	[dreg:$0x2] =	wrdreg s2  }
0xaf: {  	[dreg:$0x3] =	wrdreg s24  }
0xb0: {  	[dreg:$0x4] =	wrdreg $0xA2000  }
0xb1: {  	[dreg:$0x5] =	wrdreg $0x9  }
0xb2: {  	_ =	task.clear_ibuf [dreg:s7], $0x6FFFF;
	_ =	strace $0x90000046  }
0xb3: {  	s29 =	simm.s32 $0x9;
	_ =	strace $0x80000048  }
0xb4: {  	_ =	swait.ge [sflag:s29], $0x1  }
0xb5: {  	[sflag:s29] =	ssyncadd.s32 $0xFFFFFFFF  }
0xb6: {  	_ =	strace $0x90000048  }
0xb7: {  	_ =	sfence  }
0xb8: {  	s30 =	sld [smem:$0x0];
	_ =	sdelay $0x2  }
0xb9: {  	s31 =	sshll.u32 s1, $0xD;
	s1 =	sshrl.u32 s1, $0x2  }
0xba: {  	s3 =	sand.u32 $0x4000, s31;
	s1 =	sadd.s32 s1, s30  }
0xbb: {  	s0 =	sor.u32 s3, s0;
	s1 =	sshll.u32 s1, $0x11  }
0xbc: {  	s0 =	sor.u32 s1, s0  }
0xbd: {  	s0 =	sadd.s32 $0x8F2B, s0  }
0xbe: {  	[sflag:s0] =	ssyncadd.remote.s32 $0x1  }
0xbf: {  	_ =	sfence.sel $0xFFFF  }
0xc0: {  	[dreg:$0x0] =	wrdreg $0xFFFFFFFF;
	(pc) =	sbr.abs _section_cstart, $3  }
0xc1: {  	[dreg:$0x1] =	wrdreg $0xFFFFFFFF  }
0xc2: {  	_ =	task.clear_ibuf [dreg:s7], $0x2FFFF;
	_ =	strace $0x9FFFFFFF  }
0xc3: {  	(tm) =	ssettm $0x7FFFFFFF  }
tec
execute0_lowered:
.L_overlay_start_1:
0x0: {  	(tag) =	ssettag $0x1  }
0x1: {  	s1 =	rddreg [dreg:$0x0]  }
0x2: {  	s0 =	rddreg [dreg:$0x1]  }
0x3: {  	s2 =	rddreg [dreg:$0x2];
	s3 =	simm.s32 $0x0;
	s4 =	srdreg.scid  }
0x4: {  	s13 =	stileid.u32;
	[smem:$0x7FF] =	sst s3  }
0x5: {  	s4 =	sand.u32 $0x1, s4;
	s5 =	sadd.s32 $0x4F8A00, s0;
	s9 =	smul.u32 $0x14000, s13  }
0x6: {  	s7 =	sadd.s32 $0x4EEC00, s0;
	s14 =	sshll.u32 s13, $0x7;
	_ =	strace $0x80000047  }
0x7: {  	s8 =	smul.u32 $0x140000, s4;
	s6 =	sshll.u32 s4, $0x4;
	s4 =	ssub.s32 $0x2, s4  }
0x8: {  	s10 =	sor.u32 s13, s6;
	s6 =	sadd.s32 $0x51FC00, s0;
	s13 =	smul.u32 $0x50000, s13  }
0x9: {  	s16 =	sshrl.u32 s4, $0x1;
	s11 =	sshrl.u32 s10, $0x3;
	s17 =	smul.u32 $0x2710, s10  }
0xa: {  	s8 =	sadd.s32 s9, s8;
	s4 =	ssub.s32 s4, s16;
	s10 =	smul.u32 $0x27100, s10  }
0xb: {  	s26 =	smul.u32 $0x14000, s11;
	s12 =	sshrl.u32 s8, $0x3;
	s11 =	sand.u32 $0x380, s14  }
0xc: {  	s8 =	sadd.s32 $0x4E4E00, s0;
	s23 =	sshrl.u32 s17, $0x3;
	s10 =	sadd.s32 s6, s10  }
0xd: {  	s15 =	sshrl.u32 s13, $0x2;
	s14 =	sadd.s32 s7, s23;
	[dreg:$0xe] =	wrdreg s10  }
0xe: {  	s12 =	sadd.s32 s12, s0;
	s13 =	sadd.s32 s8, s23;
	[dreg:$0xa] =	wrdreg s14  }
0xf: {  	s9 =	sor.u32 s11, s26;
	s12 =	sadd.s32 $0x2E00, s12;
	[dreg:$0xb] =	wrdreg s13  }
0x10: {  	s9 =	sshrl.u32 s9, $0x3;
	[dreg:$0x10] =	wrdreg s12;
	s13 =	smax.u32 s4, $0x1  }
0x11: {  	s0 =	sadd.s32 s9, s0;
	s9 =	sadd.s32 s15, s2;
	[dreg:$0x11] =	wrdreg s13  }
0x12: {  	s18 =	sadd.s32 $0x1400, s9;
	[dreg:$0x4] =	wrdreg s9  }
0x13: {  	s19 =	sadd.s32 $0x2800, s9;
	[dreg:$0x5] =	wrdreg s18  }
0x14: {  	s20 =	sadd.s32 $0x3C00, s9;
	[dreg:$0x6] =	wrdreg s19  }
0x15: {  	s28 =	simm.s32 $0x6600;
	s21 =	sadd.s32 $0x5000, s9;
	[dreg:$0x7] =	wrdreg s20  }
0x16: {  	s29 =	simm.s32 $0x7A00;
	s22 =	sadd.s32 $0x6400, s9;
	[dreg:$0x8] =	wrdreg s21  }
0x17: {  	s30 =	simm.s32 $0x0;
	s0 =	sadd.s32 $0x52E00, s0;
	[dreg:$0x9] =	wrdreg s22  }
0x18: {  	s31 =	simm.s32 $0x0;
	s14 =	sadd.s32 $0x7800, s9;
	[dreg:$0xf] =	wrdreg s0  }
0x19: {  	s15 =	sadd.s32 $0x28, s17;
	s16 =	sadd.s32 $0x8C00, s9;
	[dreg:$0x12] =	wrdreg s14  }
0x1a: {  	s24 =	sshrl.u32 s15, $0x3;
	s23 =	sadd.s32 $0xF000, s9;
	[dreg:$0x13] =	wrdreg s16  }
0x1b: {  	s11 =	simm.s32 $0x80;
	s25 =	sadd.s32 s7, s24;
	[dreg:$0x18] =	wrdreg s23  }
0x1c: {  	s26 =	sadd.s32 s8, s24;
	s21 =	sadd.s32 $0x50, s17;
	[dreg:$0xc] =	wrdreg s25  }
0x1d: {  	s22 =	sadd.s32 $0x78, s17;
	s17 =	sadd.s32 $0xA000, s9;
	[dreg:$0xd] =	wrdreg s26  }
0x1e: {  	s13 =	simm.s32 $0x2900;
	s18 =	sadd.s32 $0xB400, s9;
	[dreg:$0x14] =	wrdreg s17  }
0x1f: {  	s19 =	sadd.s32 $0xC800, s9;
	s20 =	sadd.s32 $0xDC00, s9;
	[dreg:$0x15] =	wrdreg s18  }
0x20: {  	s24 =	sadd.s32 $0x10400, s9;
	s14 =	simm.s32 $0x5;
	[dreg:$0x16] =	wrdreg s19  }
.Ltmp0:
0x21: {  	s23 =	simm.s32 $0x3;
	[dreg:$0x17] =	wrdreg s20;
	(pc) =	sbr.rel .LBB2_1-.Ltmp0, $4  }
0x22: {  	[dreg:$0x19] =	wrdreg s24;
	s25 =	sadd.s32 $0x11800, s9;
	s26 =	sadd.s32 $0x12C00, s9  }
0x23: {  	s17 =	simm.s32 $0x3D00;
	s18 =	simm.s32 $0x3D80;
	s19 =	simm.s32 $0x1  }
0x24: {  	s20 =	simm.s32 $0x28;
	s24 =	simm.s32 $0x2;
	[dreg:$0x1a] =	wrdreg s25  }
0x25: {  	v0 =	vimm.f32 $0.0e+00;
	v1 =	vimm.f32 $1.000000000e+00;
	[dreg:$0x1b] =	wrdreg s26;
	s25 =	simm.s32 $0x3E00;
	s26 =	simm.s32 $0x5200  }
.LBB2_12:
0x26: {  	s0 =	rddreg [dreg:$0xf];
	s11 =	simm.s32 $0x80;
	s4 =	simm.s32 $0x400  }
0x27: {  	[hbm4b:s0+s11] =	stream.strided.scatter [tilespmem:s29], [sflag:$0x5], $0x2800, s4, s11, $0x38;
	[tilespmem:$0x1E200] =	vst v63  }
0x28: {  	_ =	swait.ge [sflag:s14], $0x2800  }
0x29: {  	[sflag:s14] =	ssyncset.done $0x0  }
0x2a: {  	[sflag:s14] =	ssyncadd.s32 $0xFFFFD800  }
0x2b: {  	s10 =	stileid.u32;
	[bflag:$0x0] =	sbarrier.arrive $0xFFFF  }
0x2c: {  	s0 =	sshll.u32 s10, $0x6;
	s9 =	rddreg [dreg:$0x4]  }
0x2d: {  	s0 =	sor.u32 $0x1C05, s0;
	s10 =	rddreg [dreg:$0x10];
	s12 =	sshrl.u32 s9, $0x3  }
0x2e: {  	[hbm:s10], [sflag:s0] =	dma.local [spmem:s12], $0x2800  }
0x2f: {  	_ =	swait.ge [sflag:s14], $0x2800  }
0x30: {  	s30 =	sadd.s32 $0x1, s30;
	s16 =	rddreg [dreg:$0x11]  }
0x31: {  	p0 =	sne.s32 s30, s16  }
.Ltmp1:
0x32: {  	_ = 	snop;
	(pc) =	sbr.rel @!p0 .LBB2_13-.Ltmp1, $3  }
0x33: {  	_ =	sdelay $0x1  }
0x34: {  	[sflag:s14] =	ssyncset.done $0x0  }
0x35: {  	[sflag:s14] =	ssyncadd.s32 $0xFFFFD800  }
.LBB2_1:
0x36: {  	s0 =	simm.s32 $0x0;
	s4 =	simm.s32 $0x200  }
.LBB2_2:
0x37: {  	p0 =	sne.s32 s4, $0x4E00;
	[tilespmem:s0+$0x2970] =	vst v0  }
0x38: {  	[tilespmem:s0+$0x2900] =	vst v0  }
0x39: {  	[tilespmem:s0+$0x2910] =	vst v0  }
.Ltmp2:
0x3a: {  	[tilespmem:s0+$0x2920] =	vst v0;
	(pc) =	sbr.rel @p0 .LBB2_2-.Ltmp2, $4  }
0x3b: {  	[tilespmem:s0+$0x2930] =	vst v0  }
0x3c: {  	[tilespmem:s0+$0x2940] =	vst v0  }
0x3d: {  	[tilespmem:s0+$0x2950] =	vst v0  }
0x3e: {  	[tilespmem:s0+$0x2960] =	vst v0;
	s0 =	sshra.s32 s4, $0x2;
	s4 =	sadd.s32 $0x200, s4  }
0x3f: {  	[tilespmem:s0+$0x2970] =	vst v0  }
0x40: {  	[tilespmem:s0+$0x2900] =	vst v0  }
0x41: {  	[tilespmem:s0+$0x2910] =	vst v0  }
0x42: {  	[tilespmem:s0+$0x2920] =	vst v0  }
0x43: {  	[tilespmem:s0+$0x2930] =	vst v0  }
0x44: {  	[tilespmem:s0+$0x2940] =	vst v0  }
0x45: {  	[tilespmem:s0+$0x2950] =	vst v0  }
0x46: {  	[tilespmem:s0+$0x2960] =	vst v0  }
0x47: {  	[spmem:s9] =	stream.linear.scatter [tilespmem:s13], [sflag:$0x5], $0x1400, $0x38;
	[tilespmem:$0x1E200] =	vst v63  }
0x48: {  	_ =	swait.ge [sflag:s14], $0x1400  }
0x49: {  	[sflag:s14] =	ssyncset.done $0x0  }
0x4a: {  	s4 =	rddreg [dreg:$0x5];
	[sflag:s14] =	ssyncadd.s32 $0xFFFFEC00  }
0x4b: {  	[spmem:s4] =	stream.linear.scatter [tilespmem:s13], [sflag:$0x5], $0x1400, $0x38;
	[tilespmem:$0x1E200] =	vst v63  }
0x4c: {  	_ =	swait.ge [sflag:s14], $0x1400  }
0x4d: {  	[sflag:s14] =	ssyncset.done $0x0  }
0x4e: {  	s9 =	rddreg [dreg:$0x6];
	[sflag:s14] =	ssyncadd.s32 $0xFFFFEC00  }
0x4f: {  	[spmem:s9] =	stream.linear.scatter [tilespmem:s13], [sflag:$0x5], $0x1400, $0x38;
	[tilespmem:$0x1E200] =	vst v63  }
0x50: {  	_ =	swait.ge [sflag:s14], $0x1400  }
0x51: {  	[sflag:s14] =	ssyncset.done $0x0  }
0x52: {  	s10 =	rddreg [dreg:$0x7];
	[sflag:s14] =	ssyncadd.s32 $0xFFFFEC00  }
0x53: {  	[spmem:s10] =	stream.linear.scatter [tilespmem:s13], [sflag:$0x5], $0x1400, $0x38;
	[tilespmem:$0x1E200] =	vst v63  }
0x54: {  	_ =	swait.ge [sflag:s14], $0x1400  }
0x55: {  	[sflag:s14] =	ssyncset.done $0x0  }
0x56: {  	s12 =	rddreg [dreg:$0x8];
	[sflag:s14] =	ssyncadd.s32 $0xFFFFEC00  }
0x57: {  	[spmem:s12] =	stream.linear.scatter [tilespmem:s13], [sflag:$0x5], $0x1400, $0x38;
	[tilespmem:$0x1E200] =	vst v63  }
0x58: {  	_ =	swait.ge [sflag:s14], $0x1400  }
0x59: {  	[sflag:s14] =	ssyncset.done $0x0  }
0x5a: {  	s16 =	rddreg [dreg:$0x9];
	[sflag:s14] =	ssyncadd.s32 $0xFFFFEC00  }
0x5b: {  	[spmem:s16] =	stream.linear.scatter [tilespmem:s13], [sflag:$0x5], $0x1400, $0x38;
	[tilespmem:$0x1E200] =	vst v63  }
0x5c: {  	_ =	swait.ge [sflag:s14], $0x1400  }
0x5d: {  	[sflag:s14] =	ssyncset.done $0x0  }
0x5e: {  	s4 =	rddreg [dreg:$0x12];
	[sflag:s14] =	ssyncadd.s32 $0xFFFFEC00  }
0x5f: {  	[spmem:s4] =	stream.linear.scatter [tilespmem:s13], [sflag:$0x5], $0x1400, $0x38;
	[tilespmem:$0x1E200] =	vst v63  }
0x60: {  	_ =	swait.ge [sflag:s14], $0x1400  }
0x61: {  	[sflag:s14] =	ssyncset.done $0x0  }
0x62: {  	s9 =	rddreg [dreg:$0x13];
	[sflag:s14] =	ssyncadd.s32 $0xFFFFEC00  }
0x63: {  	[spmem:s9] =	stream.linear.scatter [tilespmem:s13], [sflag:$0x5], $0x1400, $0x38;
	[tilespmem:$0x1E200] =	vst v63  }
0x64: {  	_ =	swait.ge [sflag:s14], $0x1400  }
0x65: {  	[sflag:s14] =	ssyncset.done $0x0  }
0x66: {  	s10 =	rddreg [dreg:$0x14];
	[sflag:s14] =	ssyncadd.s32 $0xFFFFEC00  }
0x67: {  	[spmem:s10] =	stream.linear.scatter [tilespmem:s13], [sflag:$0x5], $0x1400, $0x38;
	[tilespmem:$0x1E200] =	vst v63  }
0x68: {  	_ =	swait.ge [sflag:s14], $0x1400  }
0x69: {  	[sflag:s14] =	ssyncset.done $0x0  }
0x6a: {  	s12 =	rddreg [dreg:$0x15];
	[sflag:s14] =	ssyncadd.s32 $0xFFFFEC00  }
0x6b: {  	[spmem:s12] =	stream.linear.scatter [tilespmem:s13], [sflag:$0x5], $0x1400, $0x38;
	[tilespmem:$0x1E200] =	vst v63  }
0x6c: {  	_ =	swait.ge [sflag:s14], $0x1400  }
0x6d: {  	[sflag:s14] =	ssyncset.done $0x0  }
0x6e: {  	s16 =	rddreg [dreg:$0x16];
	[sflag:s14] =	ssyncadd.s32 $0xFFFFEC00  }
0x6f: {  	[spmem:s16] =	stream.linear.scatter [tilespmem:s13], [sflag:$0x5], $0x1400, $0x38;
	[tilespmem:$0x1E200] =	vst v63  }
0x70: {  	_ =	swait.ge [sflag:s14], $0x1400  }
0x71: {  	[sflag:s14] =	ssyncset.done $0x0  }
0x72: {  	s4 =	rddreg [dreg:$0x17];
	[sflag:s14] =	ssyncadd.s32 $0xFFFFEC00  }
0x73: {  	[spmem:s4] =	stream.linear.scatter [tilespmem:s13], [sflag:$0x5], $0x1400, $0x38;
	[tilespmem:$0x1E200] =	vst v63  }
0x74: {  	_ =	swait.ge [sflag:s14], $0x1400  }
0x75: {  	[sflag:s14] =	ssyncset.done $0x0  }
0x76: {  	s9 =	rddreg [dreg:$0x18];
	[sflag:s14] =	ssyncadd.s32 $0xFFFFEC00  }
0x77: {  	[spmem:s9] =	stream.linear.scatter [tilespmem:s13], [sflag:$0x5], $0x1400, $0x38;
	[tilespmem:$0x1E200] =	vst v63  }
0x78: {  	_ =	swait.ge [sflag:s14], $0x1400  }
0x79: {  	[sflag:s14] =	ssyncset.done $0x0  }
0x7a: {  	s10 =	rddreg [dreg:$0x19];
	[sflag:s14] =	ssyncadd.s32 $0xFFFFEC00  }
0x7b: {  	[spmem:s10] =	stream.linear.scatter [tilespmem:s13], [sflag:$0x5], $0x1400, $0x38;
	[tilespmem:$0x1E200] =	vst v63  }
0x7c: {  	_ =	swait.ge [sflag:s14], $0x1400  }
0x7d: {  	[sflag:s14] =	ssyncset.done $0x0  }
0x7e: {  	s12 =	rddreg [dreg:$0x1a];
	[sflag:s14] =	ssyncadd.s32 $0xFFFFEC00  }
0x7f: {  	[spmem:s12] =	stream.linear.scatter [tilespmem:s13], [sflag:$0x5], $0x1400, $0x38;
	[tilespmem:$0x1E200] =	vst v63  }
0x80: {  	_ =	swait.ge [sflag:s14], $0x1400  }
0x81: {  	[sflag:s14] =	ssyncset.done $0x0  }
0x82: {  	s16 =	rddreg [dreg:$0x1b];
	[sflag:s14] =	ssyncadd.s32 $0xFFFFEC00  }
0x83: {  	[spmem:s16] =	stream.linear.scatter [tilespmem:s13], [sflag:$0x5], $0x1400, $0x38;
	[tilespmem:$0x1E200] =	vst v63  }
0x84: {  	_ =	swait.ge [sflag:s14], $0x1400  }
0x85: {  	[sflag:s14] =	ssyncset.done $0x0  }
0x86: {  	s0 =	simm.s32 $0x40;
	s4 =	simm.s32 $0x0;
	[sflag:s14] =	ssyncadd.s32 $0xFFFFEC00  }
.LBB2_4:
0x87: {  	p0 =	sne.s32 s0, $0x9FC0;
	[tilespmem:s4+$0x7A00] =	vst v0;
	s4 =	smov.u32 s0;
	s0 =	sadd.s32 $0x40, s0  }
.Ltmp3:
0x88: {  	(pc) =	sbr.rel @p0 .LBB2_4-.Ltmp3, $2  }
0x89: {  	_ =	sdelay $0x2  }
0x8a: {  	s4 =	sshra.s32 s4, $0x2  }
0x8b: {  	[tilespmem:s4+$0x7A00] =	vst v0  }
0x8c: {  	[bflag:$0x0] =	sbarrier.arrive $0xFFFF  }
0x8d: {  	s0 =	rddreg [dreg:$0xa]  }
0x8e: {  	[tilespmem:s31], [sflag:$0x1] =	stream.linear.gather [hbm4b:s0+s31], $0x28, $0x38;
	[tilespmem:$0x1E200] =	vst v63  }
0x8f: {  	s16 =	rddreg [dreg:$0xb]  }
0x90: {  	[tilespmem:s11], [sflag:$0x1] =	stream.linear.gather [hbm4b:s16+s31], $0x28, $0x38;
	[tilespmem:$0x1E200] =	vst v63  }
0x91: {  	s4 =	rddreg [dreg:$0xc]  }
0x92: {  	[tilespmem:s17], [sflag:$0x2] =	stream.linear.gather [hbm4b:s4+s31], $0x28, $0x38;
	[tilespmem:$0x1E200] =	vst v63  }
0x93: {  	s9 =	rddreg [dreg:$0xd]  }
0x94: {  	[tilespmem:s18], [sflag:$0x2] =	stream.linear.gather [hbm4b:s9+s31], $0x28, $0x38;
	[tilespmem:$0x1E200] =	vst v63  }
0x95: {  	_ =	swait.ge [sflag:s19], $0x28  }
0x96: {  	[sflag:s19] =	ssyncset.done $0x0  }
0x97: {  	[sflag:s19] =	ssyncadd.s32 $0xFFFFFFD8  }
0x98: {  	_ =	swait.ge [sflag:s19], $0x28  }
0x99: {  	[sflag:s19] =	ssyncset.done $0x0  }
0x9a: {  	s10 =	simm.s32 $0x100;
	[sflag:s19] =	ssyncadd.s32 $0xFFFFFFD8  }
0x9b: {  	[tilespmem:s10], [sflag:$0x3] =	stream.indirect.gather [hbm4b:s1+s20], $0x80, s31, s20, $0xb8;
	[tilespmem:$0x1E200] =	vst v63  }
0x9c: {  	s12 =	simm.s32 $0x1500  }
0x9d: {  	[tilespmem:s12], [sflag:$0x3] =	stream.indirect.gather [hbm4b:s5+s20], $0x80, s11, s20, $0xb8;
	[tilespmem:$0x1E200] =	vst v63  }
0x9e: {  	s0 =	simm.s32 $0x0;
	s16 =	rddreg [dreg:$0xe]  }
0x9f: {  	[tilespmem:s13], [sflag:$0x3] =	stream.linear.gather [hbm4b:s16+s31], $0x1400, $0x38;
	[tilespmem:$0x1E200] =	vst v63  }
.LBB2_6:
0xa0: {  	_ =	swait.ge [sflag:s23], $0x1400  }
0xa1: {  	[sflag:s23] =	ssyncset.done $0x0  }
0xa2: {  	[sflag:s23] =	ssyncadd.s32 $0xFFFFEC00  }
0xa3: {  	_ =	swait.ge [sflag:s23], $0x1400  }
0xa4: {  	[sflag:s23] =	ssyncset.done $0x0  }
0xa5: {  	[sflag:s23] =	ssyncadd.s32 $0xFFFFEC00  }
0xa6: {  	_ =	swait.ge [sflag:s23], $0x1400  }
0xa7: {  	[sflag:s23] =	ssyncset.done $0x0  }
0xa8: {  	[sflag:s23] =	ssyncadd.s32 $0xFFFFEC00  }
0xa9: {  	_ =	swait.ge [sflag:s24], $0x28  }
0xaa: {  	[sflag:s24] =	ssyncset.done $0x0  }
0xab: {  	[sflag:s24] =	ssyncadd.s32 $0xFFFFFFD8  }
0xac: {  	s4 =	smul.u32 $0x50, s0;
	_ =	swait.ge [sflag:s24], $0x28  }
0xad: {  	[sflag:s24] =	ssyncset.done $0x0  }
0xae: {  	s10 =	sadd.s32 s4, s15;
	[sflag:s24] =	ssyncadd.s32 $0xFFFFFFD8  }
0xaf: {  	[tilespmem:s25], [sflag:$0x4] =	stream.indirect.gather [hbm4b:s1+s20], $0x80, s17, s20, $0xb8;
	[tilespmem:$0x1E200] =	vst v63  }
0xb0: {  	s10 =	sshll.u32 s10, $0x4  }
0xb1: {  	[tilespmem:s26], [sflag:$0x4] =	stream.indirect.gather [hbm4b:s5+s20], $0x80, s18, s20, $0xb8;
	[tilespmem:$0x1E200] =	vst v63  }
0xb2: {  	s10 =	sadd.s32 s6, s10  }
0xb3: {  	[tilespmem:s28], [sflag:$0x4] =	stream.linear.gather [hbm4b:s10+s31], $0x1400, $0x38;
	[tilespmem:$0x1E200] =	vst v63  }
0xb4: {  	s10 =	simm.s32 $0x0  }
0xb5: {  	v6 =	vld [tilespmem:s10+$0x1500]  }
0xb6: {  	v7 =	vld [tilespmem:s10+$0x1510]  }
0xb7: {  	v5 =	vld [tilespmem:s10+$0x1520]  }
0xb8: {  	v4 =	vld [tilespmem:s10+$0x1530]  }
0xb9: {  	v3 =	vld [tilespmem:s10+$0x1540]  }
0xba: {  	v2 =	vld [tilespmem:s10+$0x1550]  }
0xbb: {  	v14 =	vld [tilespmem:s10+$0x100]  }
0xbc: {  	v19 =	vld [tilespmem:s10+$0x110]  }
0xbd: {  	v13 =	vld [tilespmem:s10+$0x120]  }
0xbe: {  	v12 =	vld [tilespmem:s10+$0x130]  }
0xbf: {  	v11 =	vld [tilespmem:s10+$0x140]  }
0xc0: {  	v10 =	vld [tilespmem:s10+$0x150]  }
0xc1: {  	v9 =	vld [tilespmem:s10+$0x160]  }
0xc2: {  	v8 =	vld [tilespmem:s10+$0x170]  }
0xc3: {  	v20 =	vld [tilespmem:s10+$0x2900]  }
0xc4: {  	v21 =	vld [tilespmem:s10+$0x2910]  }
0xc5: {  	v18 =	vld [tilespmem:s10+$0x2920]  }
0xc6: {  	v17 =	vld [tilespmem:s10+$0x2930]  }
0xc7: {  	v16 =	vld [tilespmem:s10+$0x2940]  }
0xc8: {  	v15 =	vld [tilespmem:s10+$0x2950];
	v20 =	vadd.f32 v14, v20  }
0xc9: {  	s11 =	simm.s32 $0x200;
	v19 =	vadd.f32 v19, v21;
	v14 =	vld [tilespmem:s10+$0x2960]  }
.LBB2_7:
0xca: {  	p0 =	sne.s32 s11, $0x4E00;
	v6 =	vadd.f32 v6, v20;
	v13 =	vadd.f32 v13, v18;
	v18 =	vld [tilespmem:s10+$0x2970]  }
0xcb: {  	v7 =	vadd.f32 v7, v19;
	v12 =	vadd.f32 v12, v17;
	v17 =	vld [tilespmem:s10+$0x1560]  }
0xcc: {  	s12 =	sshra.s32 s11, $0x2;
	v19 =	vmax.f32 v6, $0.0e+00;
	v5 =	vadd.f32 v5, v13;
	v11 =	vadd.f32 v11, v16;
	v13 =	vld [tilespmem:s10+$0x1570]  }
0xcd: {  	v6 =	vld [tilespmem:s12+$0x1500];
	[tilespmem:s10+$0x2900] =	vst v19;
	v16 =	vmax.f32 v7, $0.0e+00;
	v4 =	vadd.f32 v4, v12;
	v10 =	vadd.f32 v10, v15  }
0xce: {  	v7 =	vld [tilespmem:s12+$0x1510];
	[tilespmem:s10+$0x2910] =	vst v16;
	v12 =	vmax.f32 v5, $0.0e+00;
	v3 =	vadd.f32 v3, v11;
	v9 =	vadd.f32 v9, v14  }
0xcf: {  	v5 =	vld [tilespmem:s12+$0x1520];
	[tilespmem:s10+$0x2920] =	vst v12;
	v11 =	vmax.f32 v4, $0.0e+00;
	v2 =	vadd.f32 v2, v10;
	v8 =	vadd.f32 v8, v18  }
0xd0: {  	v4 =	vld [tilespmem:s12+$0x1530];
	[tilespmem:s10+$0x2930] =	vst v11;
	v10 =	vmax.f32 v3, $0.0e+00;
	v9 =	vadd.f32 v17, v9  }
0xd1: {  	v3 =	vld [tilespmem:s12+$0x1540];
	[tilespmem:s10+$0x2940] =	vst v10;
	v10 =	vmax.f32 v2, $0.0e+00;
	v8 =	vadd.f32 v13, v8  }
0xd2: {  	v2 =	vld [tilespmem:s12+$0x1550];
	[tilespmem:s10+$0x2950] =	vst v10;
	v9 =	vmax.f32 v9, $0.0e+00  }
0xd3: {  	v14 =	vld [tilespmem:s12+$0x100];
	[tilespmem:s10+$0x2960] =	vst v9;
	v8 =	vmax.f32 v8, $0.0e+00  }
0xd4: {  	v19 =	vld [tilespmem:s12+$0x110];
	[tilespmem:s10+$0x2970] =	vst v8;
	s10 =	smov.u32 s12  }
0xd5: {  	v13 =	vld [tilespmem:s10+$0x120]  }
0xd6: {  	v12 =	vld [tilespmem:s10+$0x130]  }
0xd7: {  	v11 =	vld [tilespmem:s10+$0x140]  }
0xd8: {  	v10 =	vld [tilespmem:s10+$0x150]  }
0xd9: {  	v9 =	vld [tilespmem:s10+$0x160]  }
0xda: {  	v8 =	vld [tilespmem:s10+$0x170]  }
0xdb: {  	v15 =	vld [tilespmem:s10+$0x2900]  }
0xdc: {  	v21 =	vld [tilespmem:s10+$0x2910]  }
.Ltmp4:
0xdd: {  	v18 =	vld [tilespmem:s10+$0x2920];
	(pc) =	sbr.rel @p0 .LBB2_7-.Ltmp4, $4  }
0xde: {  	v17 =	vld [tilespmem:s10+$0x2930]  }
0xdf: {  	v16 =	vld [tilespmem:s10+$0x2940]  }
0xe0: {  	v20 =	vadd.f32 v14, v15;
	v15 =	vld [tilespmem:s10+$0x2950]  }
0xe1: {  	s11 =	sadd.s32 $0x200, s11;
	v19 =	vadd.f32 v19, v21;
	v14 =	vld [tilespmem:s10+$0x2960]  }
0xe2: {  	v6 =	vadd.f32 v6, v20;
	v13 =	vadd.f32 v13, v18;
	v18 =	vld [tilespmem:s10+$0x2970]  }
0xe3: {  	v7 =	vadd.f32 v7, v19;
	v12 =	vadd.f32 v12, v17;
	v17 =	vld [tilespmem:s10+$0x1560]  }
0xe4: {  	v6 =	vmax.f32 v6, $0.0e+00;
	v5 =	vadd.f32 v5, v13;
	v11 =	vadd.f32 v11, v16;
	v13 =	vld [tilespmem:s10+$0x1570]  }
0xe5: {  	[tilespmem:s10+$0x2900] =	vst v6;
	v6 =	vmax.f32 v7, $0.0e+00;
	v4 =	vadd.f32 v4, v12;
	v7 =	vadd.f32 v10, v15  }
0xe6: {  	[tilespmem:s10+$0x2910] =	vst v6;
	v5 =	vmax.f32 v5, $0.0e+00;
	v3 =	vadd.f32 v3, v11;
	v6 =	vadd.f32 v9, v14  }
0xe7: {  	[tilespmem:s10+$0x2920] =	vst v5;
	v4 =	vmax.f32 v4, $0.0e+00;
	v2 =	vadd.f32 v2, v7;
	v5 =	vadd.f32 v8, v18  }
0xe8: {  	[tilespmem:s10+$0x2930] =	vst v4;
	v3 =	vmax.f32 v3, $0.0e+00;
	v4 =	vadd.f32 v17, v6  }
0xe9: {  	[tilespmem:s10+$0x2940] =	vst v3;
	v2 =	vmax.f32 v2, $0.0e+00;
	v3 =	vadd.f32 v13, v5  }
0xea: {  	[tilespmem:s10+$0x2950] =	vst v2;
	v2 =	vmax.f32 v4, $0.0e+00  }
0xeb: {  	[tilespmem:s10+$0x2960] =	vst v2;
	v2 =	vmax.f32 v3, $0.0e+00  }
0xec: {  	[tilespmem:s10+$0x2970] =	vst v2  }
0xed: {  	v2 =	vld [tilespmem:$0x0];
	_ =	sdelay $0x7  }
0xee: {  	[tilespmem:v2+s29+$0x0] =	vst.idx.add.f32.msk $0xffff, v1  }
0xef: {  	v2 =	vld [tilespmem:$0x10];
	_ =	sdelay $0x7  }
0xf0: {  	[tilespmem:v2+s29+$0x0] =	vst.idx.add.f32.msk $0xffff, v1  }
0xf1: {  	v2 =	vld [tilespmem:$0x20];
	_ =	sdelay $0x7  }
0xf2: {  	[tilespmem:v2+s29+$0x0] =	vst.idx.add.f32.msk $0xff, v1  }
0xf3: {  	[spmem:s2] =	stream.indirect.scatter.add.f32 [tilespmem:s13], [sflag:$0x5], $0x80, s3, s20, $0xb8;
	[tilespmem:$0x1E200] =	vst v63  }
0xf4: {  	_ =	swait.ge [sflag:s14], $0x1400  }
0xf5: {  	p0 =	seq.s32 s0, $0x7C;
	[sflag:s14] =	ssyncset.done $0x0  }
0xf6: {  	s10 =	simm.s32 @p0 $0x4;
	[sflag:s14] =	ssyncadd.s32 $0xFFFFEC00  }
0xf7: {  	_ =	swait.ge @p0 [sflag:s10], $0x1400  }
0xf8: {  	[sflag:s10] =	ssyncset.done @p0 $0x0  }
0xf9: {  	[sflag:s10] =	ssyncadd.s32 @p0 $0xFFFFEC00  }
0xfa: {  	_ =	swait.ge @p0 [sflag:s10], $0x1400  }
0xfb: {  	[sflag:s10] =	ssyncset.done @p0 $0x0  }
0xfc: {  	[sflag:s10] =	ssyncadd.s32 @p0 $0xFFFFEC00  }
0xfd: {  	s11 =	sadd.s32 @!p0 s4, s21;
	_ =	swait.ge @p0 [sflag:s10], $0x1400  }
0xfe: {  	s12 =	sshrl.u32 @!p0 s11, $0x3;
	[sflag:s10] =	ssyncset.done @p0 $0x0  }
0xff: {  	s16 =	simm.s32 @!p0 $0x0;
	[sflag:s10] =	ssyncadd.s32 @p0 $0xFFFFEC00;
	s10 =	sadd.s32 @!p0 s7, s12  }
0x100: {  	[tilespmem:s16], [sflag:$0x1] =	stream.linear.gather @!p0 [hbm4b:s10+s16], $0x28, $0x38;
	[tilespmem:$0x1E200] =	vst v63  }
0x101: {  	s10 =	sadd.s32 @!p0 s8, s12;
	s12 =	simm.s32 @!p0 $0x80  }
0x102: {  	[tilespmem:s12], [sflag:$0x1] =	stream.linear.gather @!p0 [hbm4b:s10+s16], $0x28, $0x38;
	[tilespmem:$0x1E200] =	vst v63  }
0x103: {  	s10 =	simm.s32 @!p0 $0x4  }
0x104: {  	_ =	swait.ge @!p0 [sflag:s10], $0x1400  }
0x105: {  	[sflag:s10] =	ssyncset.done @!p0 $0x0  }
0x106: {  	[sflag:s10] =	ssyncadd.s32 @!p0 $0xFFFFEC00  }
0x107: {  	_ =	swait.ge @!p0 [sflag:s10], $0x1400  }
0x108: {  	[sflag:s10] =	ssyncset.done @!p0 $0x0  }
0x109: {  	[sflag:s10] =	ssyncadd.s32 @!p0 $0xFFFFEC00  }
0x10a: {  	_ =	swait.ge @!p0 [sflag:s10], $0x1400  }
0x10b: {  	[sflag:s10] =	ssyncset.done @!p0 $0x0  }
0x10c: {  	[sflag:s10] =	ssyncadd.s32 @!p0 $0xFFFFEC00;
	s10 =	simm.s32 @!p0 $0x1  }
0x10d: {  	_ =	swait.ge @!p0 [sflag:s10], $0x28  }
0x10e: {  	[sflag:s10] =	ssyncset.done @!p0 $0x0  }
0x10f: {  	[sflag:s10] =	ssyncadd.s32 @!p0 $0xFFFFFFD8  }
0x110: {  	_ =	swait.ge @!p0 [sflag:s10], $0x28  }
0x111: {  	[sflag:s10] =	ssyncset.done @!p0 $0x0  }
0x112: {  	s9 =	simm.s32 @!p0 $0x100;
	[sflag:s10] =	ssyncadd.s32 @!p0 $0xFFFFFFD8;
	s10 =	simm.s32 @!p0 $0x28  }
0x113: {  	[tilespmem:s9], [sflag:$0x3] =	stream.indirect.gather @!p0 [hbm4b:s1+s10], $0x80, s16, s10, $0xb8;
	[tilespmem:$0x1E200] =	vst v63  }
0x114: {  	s9 =	simm.s32 @!p0 $0x1500  }
0x115: {  	[tilespmem:s9], [sflag:$0x3] =	stream.indirect.gather @!p0 [hbm4b:s5+s10], $0x80, s12, s10, $0xb8;
	[tilespmem:$0x1E200] =	vst v63  }
0x116: {  	s9 =	sshll.u32 @!p0 s11, $0x4  }
0x117: {  	s10 =	simm.s32 @!p0 $0x2900;
	s9 =	sadd.s32 @!p0 s6, s9  }
0x118: {  	[tilespmem:s10], [sflag:$0x3] =	stream.linear.gather @!p0 [hbm4b:s9+s16], $0x1400, $0x38;
	[tilespmem:$0x1E200] =	vst v63  }
0x119: {  	s10 =	simm.s32 $0x0  }
0x11a: {  	v6 =	vld [tilespmem:s10+$0x5200]  }
0x11b: {  	v7 =	vld [tilespmem:s10+$0x5210]  }
0x11c: {  	v5 =	vld [tilespmem:s10+$0x5220]  }
0x11d: {  	v4 =	vld [tilespmem:s10+$0x5230]  }
0x11e: {  	v3 =	vld [tilespmem:s10+$0x5240]  }
0x11f: {  	v2 =	vld [tilespmem:s10+$0x5250]  }
0x120: {  	v14 =	vld [tilespmem:s10+$0x3E00]  }
0x121: {  	v19 =	vld [tilespmem:s10+$0x3E10]  }
0x122: {  	v13 =	vld [tilespmem:s10+$0x3E20]  }
0x123: {  	v12 =	vld [tilespmem:s10+$0x3E30]  }
0x124: {  	v11 =	vld [tilespmem:s10+$0x3E40]  }
0x125: {  	v10 =	vld [tilespmem:s10+$0x3E50]  }
0x126: {  	v9 =	vld [tilespmem:s10+$0x3E60]  }
0x127: {  	v8 =	vld [tilespmem:s10+$0x3E70]  }
0x128: {  	v20 =	vld [tilespmem:s10+$0x6600]  }
0x129: {  	v21 =	vld [tilespmem:s10+$0x6610]  }
0x12a: {  	v18 =	vld [tilespmem:s10+$0x6620]  }
0x12b: {  	v17 =	vld [tilespmem:s10+$0x6630]  }
0x12c: {  	v16 =	vld [tilespmem:s10+$0x6640]  }
0x12d: {  	v15 =	vld [tilespmem:s10+$0x6650];
	v20 =	vadd.f32 v14, v20  }
0x12e: {  	s11 =	simm.s32 $0x200;
	v19 =	vadd.f32 v19, v21;
	v14 =	vld [tilespmem:s10+$0x6660]  }
.LBB2_9:
0x12f: {  	p1 =	sne.s32 s11, $0x4E00;
	v6 =	vadd.f32 v6, v20;
	v13 =	vadd.f32 v13, v18;
	v18 =	vld [tilespmem:s10+$0x6670]  }
0x130: {  	v7 =	vadd.f32 v7, v19;
	v12 =	vadd.f32 v12, v17;
	v17 =	vld [tilespmem:s10+$0x5260]  }
0x131: {  	s9 =	sshra.s32 s11, $0x2;
	v19 =	vmax.f32 v6, $0.0e+00;
	v5 =	vadd.f32 v5, v13;
	v11 =	vadd.f32 v11, v16;
	v13 =	vld [tilespmem:s10+$0x5270]  }
0x132: {  	v6 =	vld [tilespmem:s9+$0x5200];
	[tilespmem:s10+$0x6600] =	vst v19;
	v16 =	vmax.f32 v7, $0.0e+00;
	v4 =	vadd.f32 v4, v12;
	v10 =	vadd.f32 v10, v15  }
0x133: {  	v7 =	vld [tilespmem:s9+$0x5210];
	[tilespmem:s10+$0x6610] =	vst v16;
	v12 =	vmax.f32 v5, $0.0e+00;
	v3 =	vadd.f32 v3, v11;
	v9 =	vadd.f32 v9, v14  }
0x134: {  	v5 =	vld [tilespmem:s9+$0x5220];
	[tilespmem:s10+$0x6620] =	vst v12;
	v11 =	vmax.f32 v4, $0.0e+00;
	v2 =	vadd.f32 v2, v10;
	v8 =	vadd.f32 v8, v18  }
0x135: {  	v4 =	vld [tilespmem:s9+$0x5230];
	[tilespmem:s10+$0x6630] =	vst v11;
	v10 =	vmax.f32 v3, $0.0e+00;
	v9 =	vadd.f32 v17, v9  }
0x136: {  	v3 =	vld [tilespmem:s9+$0x5240];
	[tilespmem:s10+$0x6640] =	vst v10;
	v10 =	vmax.f32 v2, $0.0e+00;
	v8 =	vadd.f32 v13, v8  }
0x137: {  	v2 =	vld [tilespmem:s9+$0x5250];
	[tilespmem:s10+$0x6650] =	vst v10;
	v9 =	vmax.f32 v9, $0.0e+00  }
0x138: {  	v14 =	vld [tilespmem:s9+$0x3E00];
	[tilespmem:s10+$0x6660] =	vst v9;
	v8 =	vmax.f32 v8, $0.0e+00  }
0x139: {  	v19 =	vld [tilespmem:s9+$0x3E10];
	[tilespmem:s10+$0x6670] =	vst v8;
	s10 =	smov.u32 s9  }
0x13a: {  	v13 =	vld [tilespmem:s10+$0x3E20]  }
0x13b: {  	v12 =	vld [tilespmem:s10+$0x3E30]  }
0x13c: {  	v11 =	vld [tilespmem:s10+$0x3E40]  }
0x13d: {  	v10 =	vld [tilespmem:s10+$0x3E50]  }
0x13e: {  	v9 =	vld [tilespmem:s10+$0x3E60]  }
0x13f: {  	v8 =	vld [tilespmem:s10+$0x3E70]  }
0x140: {  	v15 =	vld [tilespmem:s10+$0x6600]  }
0x141: {  	v21 =	vld [tilespmem:s10+$0x6610]  }
.Ltmp5:
0x142: {  	v18 =	vld [tilespmem:s10+$0x6620];
	(pc) =	sbr.rel @p1 .LBB2_9-.Ltmp5, $4  }
0x143: {  	v17 =	vld [tilespmem:s10+$0x6630]  }
0x144: {  	v16 =	vld [tilespmem:s10+$0x6640]  }
0x145: {  	v20 =	vadd.f32 v14, v15;
	v15 =	vld [tilespmem:s10+$0x6650]  }
0x146: {  	s11 =	sadd.s32 $0x200, s11;
	v19 =	vadd.f32 v19, v21;
	v14 =	vld [tilespmem:s10+$0x6660]  }
0x147: {  	v6 =	vadd.f32 v6, v20;
	v13 =	vadd.f32 v13, v18;
	v56 =	vld [tilespmem:s10+$0x6670]  }
0x148: {  	v57 =	vld [tilespmem:s10+$0x5260];
	v7 =	vadd.f32 v7, v19;
	v12 =	vadd.f32 v12, v17  }
0x149: {  	v58 =	vld [tilespmem:s10+$0x5270];
	v6 =	vmax.f32 v6, $0.0e+00;
	v5 =	vadd.f32 v5, v13;
	v11 =	vadd.f32 v11, v16  }
0x14a: {  	[tilespmem:s10+$0x6600] =	vst v6;
	v59 =	vmax.f32 v7, $0.0e+00;
	v4 =	vadd.f32 v4, v12;
	v60 =	vadd.f32 v10, v15  }
0x14b: {  	[tilespmem:s10+$0x6610] =	vst v59;
	v5 =	vmax.f32 v5, $0.0e+00;
	v3 =	vadd.f32 v3, v11;
	v61 =	vadd.f32 v9, v14  }
0x14c: {  	[tilespmem:s10+$0x6620] =	vst v5;
	v4 =	vmax.f32 v4, $0.0e+00;
	v2 =	vadd.f32 v2, v60;
	v62 =	vadd.f32 v8, v56  }
0x14d: {  	[tilespmem:s10+$0x6630] =	vst v4;
	v3 =	vmax.f32 v3, $0.0e+00;
	v63 =	vadd.f32 v57, v61  }
0x14e: {  	[tilespmem:s10+$0x6640] =	vst v3;
	v2 =	vmax.f32 v2, $0.0e+00;
	v3 =	vadd.f32 v58, v62  }
0x14f: {  	[tilespmem:s10+$0x6650] =	vst v2;
	v2 =	vmax.f32 v63, $0.0e+00  }
0x150: {  	[tilespmem:s10+$0x6660] =	vst v2;
	v2 =	vmax.f32 v3, $0.0e+00  }
0x151: {  	[tilespmem:s10+$0x6670] =	vst v2  }
0x152: {  	v2 =	vld [tilespmem:$0x3D00];
	_ =	sdelay $0x7  }
0x153: {  	[tilespmem:v2+s29+$0x0] =	vst.idx.add.f32.msk $0xffff, v1  }
0x154: {  	v2 =	vld [tilespmem:$0x3D10];
	_ =	sdelay $0x7  }
0x155: {  	[tilespmem:v2+s29+$0x0] =	vst.idx.add.f32.msk $0xffff, v1  }
0x156: {  	v2 =	vld [tilespmem:$0x3D20];
	_ =	sdelay $0x7  }
.Ltmp6:
0x157: {  	[tilespmem:v2+s29+$0x0] =	vst.idx.add.f32.msk $0xff, v1;
	(pc) =	sbr.rel @p0 .LBB2_12-.Ltmp6, $4  }
0x158: {  	[spmem:s2] =	stream.indirect.scatter.add.f32 [tilespmem:s28], [sflag:$0x5], $0x80, s17, s20, $0xb8;
	[tilespmem:$0x1E200] =	vst v63  }
0x159: {  	_ =	swait.ge [sflag:s14], $0x1400  }
0x15a: {  	[sflag:s14] =	ssyncset.done $0x0  }
0x15b: {  	[sflag:s14] =	ssyncadd.s32 $0xFFFFEC00  }
0x15c: {  	s4 =	sadd.s32 s4, s22  }
.Ltmp7:
0x15d: {  	s4 =	sshrl.u32 s4, $0x3;
	(pc) =	sbr.rel .LBB2_6-.Ltmp7, $4  }
0x15e: {  	s9 =	sadd.s32 s7, s4  }
0x15f: {  	[tilespmem:s17], [sflag:$0x2] =	stream.linear.gather [hbm4b:s9+s3], $0x28, $0x38;
	[tilespmem:$0x1E200] =	vst v63  }
0x160: {  	s0 =	sadd.s32 $0x1, s0;
	s4 =	sadd.s32 s8, s4  }
0x161: {  	[tilespmem:s18], [sflag:$0x2] =	stream.linear.gather [hbm4b:s4+s3], $0x28, $0x38;
	[tilespmem:$0x1E200] =	vst v63  }
.LBB2_13:
0x162: {  	_ =	sfence.sel $0x180000  }
0x163: {  	[bflag:$0x0] =	sbarrier.arrive $0xFFFF  }
0x164: {  	_ =	strace $0x90000047  }
0x165: {  	s0 =	stileid.u32;
	[bflag:$0x2] =	sbarrier.arrive $0xFFFF  }
0x166: {  	p0 =	sne.s32 s0, $0x0;
	s0 =	rddreg [dreg:$0x3]  }
0x167: {  	s0 =	sadd.s32 @!p0 $0x100000, s0  }
0x168: {  	[sflag:s0] =	ssyncadd.tile.s32 @!p0 $0x1;
	_ =	shalt  }
.Lfunc_end2:
_tile_overlayer_lowered:
.L_overlay_start_2:
0x169: {  	(tag) =	ssettag $0x2  }
0x16a: {  	s0 =	rddreg [dreg:$0x0];
	s2 =	stileid.u32  }
0x16b: {  	s1 =	rddreg [dreg:$0x1];
	p0 =	sne.s32 s2, $0x0  }
0x16c: {  	s3 =	rddreg [dreg:$0x2];
	[bflag:$0x3] =	sbarrier.arrive $0xFFFF;
	s2 =	simm.s32 @!p0 $0x1C05  }
0x16d: {  	[timem:s3], [sflag:s2] =	dma.local @!p0 [hbm:s0], s1  }
0x16e: {  	s0 =	simm.s32 @!p0 $0x5  }
0x16f: {  	_ =	swait.ge @!p0 [sflag:s0], s1  }
0x170: {  	s1 =	ssub.s32 @!p0 $0x0, s1;
	[sflag:s0] =	ssyncset.done @!p0 $0x0  }
0x171: {  	[sflag:s0] =	ssyncadd.s32 @!p0 s1  }
0x172: {  	[bflag:$0x3] =	sbarrier.arrive $0xFFFF  }
0x173: {  	_ =	shalt  }

</sc_bundles>
